<compile_context>
chip_gen: v7x
topology: tpu7x:2x2x1
jax: 0.10.2.dev20260603
libtpu: 0.0.44.dev20260713+nightly
codegen_flags: <defaults>
</compile_context>

<pallas_src>
import functools

import jax
import jax.numpy as jnp
from jax import lax
from jax.experimental import pallas as pl
from jax.experimental.pallas import tpu as pltpu
from jax.experimental.pallas import tpu_sc as plsc

N = 10000
NPAD = 10240
E = 320000
DF = 128
H = 32
DENSE = 512
NCLS = 10
NG = 64
NSC = 2
NTILE = 16
NW = NSC * NTILE
CH = 128
NCH = 80
EW = CH * NCH
EPAD = EW * NW
NSL = NPAD // NTILE

_mesh = plsc.VectorSubcoreMesh(core_axis_name="c", subcore_axis_name="s")
_sc_params = pltpu.CompilerParams(use_tc_tiling_on_sc=False)

_Z16 = functools.partial(jnp.zeros, (16,), jnp.float32)


@functools.partial(
    pl.kernel,
    mesh=_mesh,
    out_type=jax.ShapeDtypeStruct((NSC, NPAD), jnp.float32),
    compiler_params=_sc_params,
    scratch_types=[
        pltpu.VMEM((NCH, CH), jnp.int32),
        pltpu.VMEM((CH,), jnp.float32),
        pltpu.VMEM((NSL,), jnp.float32),
        pltpu.VMEM_SHARED((NPAD,), jnp.float32),
        pltpu.SemaphoreType.DMA,
    ],
)
def _deg_kernel(edge_hbm, out_hbm, dst_v, ones_v, z_v, deg_sh, dsem):
    c = lax.axis_index("c")
    s = lax.axis_index("s")
    w = c * NTILE + s
    pltpu.sync_copy(edge_hbm.at[1, w], dst_v)

    def permute(i, _):
        j = i >> 3
        kk = i & 7
        v = dst_v[j, pl.ds(kk * 16, 16)]
        dst_v[j, pl.ds(kk * 16, 16)] = (v & 3) * KP + (v >> 2)
        return 0

    lax.fori_loop(0, NCH * CH // 16, permute, 0)

    def fill_ones(i, _):
        ones_v[pl.ds(i * 16, 16)] = jnp.ones((16,), jnp.float32)
        return 0

    lax.fori_loop(0, CH // 16, fill_ones, 0)

    def fill_zero(i, _):
        z_v[pl.ds(i * 16, 16)] = _Z16()
        return 0

    lax.fori_loop(0, NSL // 16, fill_zero, 0)
    pltpu.sync_copy(z_v, deg_sh.at[pl.ds(s * NSL, NSL)])
    plsc.subcore_barrier()

    def group(g, _):
        j0 = g * 8
        for q in range(8):
            pltpu.async_copy(ones_v, deg_sh.at[dst_v.at[j0 + q]], dsem,
                             add=True)
        for q in range(8):
            pltpu.make_async_copy(ones_v, deg_sh.at[dst_v.at[j0 + q]],
                                  dsem).wait()
        return 0

    lax.fori_loop(0, NCH // 8, group, 0)
    plsc.subcore_barrier()
    pltpu.sync_copy(deg_sh.at[pl.ds(s * NSL, NSL)],
                    out_hbm.at[c, pl.ds(s * NSL, NSL)])


@functools.partial(
    pl.kernel,
    mesh=_mesh,
    out_type=jax.ShapeDtypeStruct((NSC, NPAD, H), jnp.float32),
    compiler_params=_sc_params,
    scratch_types=[
        pltpu.VMEM((NCH, CH), jnp.int32),
        pltpu.VMEM((NCH, CH), jnp.int32),
        *([pltpu.VMEM((CH, H), jnp.float32)] * 8),
        pltpu.VMEM((NSL, H), jnp.float32),
        pltpu.VMEM_SHARED((NPAD, H), jnp.float32),
        *([pltpu.SemaphoreType.DMA] * 16),
    ],
)
def _agg_kernel(edge_hbm, hp_hbm, out_hbm, src_v, dst_v, *bufs):
    rows = bufs[0:8]
    zb_v = bufs[8]
    agg_sh = bufs[9]
    gsem = bufs[10:18]
    ssem = bufs[18:26]
    c = lax.axis_index("c")
    s = lax.axis_index("s")
    w = c * NTILE + s
    pltpu.sync_copy(edge_hbm.at[0, w], src_v)
    pltpu.sync_copy(edge_hbm.at[1, w], dst_v)

    def fill_zero(i, _):
        zb_v[i, pl.ds(0, 16)] = _Z16()
        zb_v[i, pl.ds(16, 16)] = _Z16()
        return 0

    lax.fori_loop(0, NSL, fill_zero, 0)
    pltpu.sync_copy(zb_v, agg_sh.at[pl.ds(s * NSL, NSL)])
    plsc.subcore_barrier()

    NB = 8
    for p in range(NB - 1):
        pltpu.async_copy(hp_hbm.at[src_v.at[p]], rows[p], gsem[p])

    def step(i, _):
        j0 = i * NB
        for b in range(NB):
            j = j0 + b
            nxt = j + NB - 1
            nb = (b + NB - 1) % NB

            @pl.when(nxt < NCH)
            def _():
                @pl.when(j >= 1)
                def _():
                    pltpu.make_async_copy(rows[nb], agg_sh.at[dst_v.at[j - 1]],
                                          ssem[nb]).wait()
                pltpu.async_copy(hp_hbm.at[src_v.at[nxt]], rows[nb], gsem[nb])

            pltpu.make_async_copy(hp_hbm.at[src_v.at[j]],
                                  rows[b], gsem[b]).wait()
            pltpu.async_copy(rows[b], agg_sh.at[dst_v.at[j]], ssem[b],
                             add=True)
        return 0

    lax.fori_loop(0, NCH // NB, step, 0)
    for b in range(NB):
        j = NCH - NB + b
        pltpu.make_async_copy(rows[b], agg_sh.at[dst_v.at[j]],
                              ssem[b]).wait()
    plsc.subcore_barrier()
    pltpu.sync_copy(agg_sh.at[pl.ds(s * NSL, NSL)],
                    out_hbm.at[c, pl.ds(s * NSL, NSL)])


KP = NPAD // 4


def _scale_cols(degp4):
    deg4 = degp4[0] + degp4[1]
    kpb = deg4.shape[1]
    r = lax.broadcasted_iota(jnp.int32, (4, 4), 0)
    c = lax.broadcasted_iota(jnp.int32, (4, 4), 1)
    eye4 = (r == c).astype(jnp.float32)
    deg_n = lax.dot_general(deg4, eye4, (((0,), (0,)), ((), ())),
                            preferred_element_type=jnp.float32)
    return lax.rsqrt(jnp.maximum(deg_n, 1.0))


KPB = KP // 4


def _hmat_body(x_ref, w1_ref, out_ref):
    for o in range(4):
        x_o = x_ref[:, o * DF:(o + 1) * DF]
        out_ref[:, o * H:(o + 1) * H] = jnp.dot(
            x_o, w1_ref[...], preferred_element_type=jnp.float32)


def _hmat_call(x_r, w1):
    return pl.pallas_call(
        _hmat_body,
        grid=(4,),
        in_specs=[
            pl.BlockSpec((KPB, 4 * DF), lambda i: (i, 0)),
            pl.BlockSpec((DF, H), lambda i: (0, 0)),
        ],
        out_specs=pl.BlockSpec((KPB, 4 * H), lambda i: (i, 0)),
        out_shape=jax.ShapeDtypeStruct((KP, 4 * H), jnp.float32),
    )(x_r, w1)


def _hscale_body(h_ref, degp_ref, out_ref):
    scale = _scale_cols(degp_ref[...])
    for o in range(4):
        out_ref[:, o * H:(o + 1) * H] = (
            h_ref[:, o * H:(o + 1) * H] * scale[:, o:o + 1])


def _hscale_call(h_p, degp4):
    return pl.pallas_call(
        _hscale_body,
        out_shape=jax.ShapeDtypeStruct((KP, 4 * H), jnp.float32),
    )(h_p, degp4)


def _tail_body(aggp_ref, degp_ref, b1_ref, ind_ref, w2_ref, b2_ref,
               w3_ref, b3_ref, out_ref):
    scale = _scale_cols(degp_ref[...])
    agg = aggp_ref[0] + aggp_ref[1]
    gids = lax.broadcasted_iota(jnp.int32, (NG, KP), 0)
    sums = jnp.zeros((NG, H), jnp.float32)
    counts = jnp.zeros((NG, 1), jnp.float32)
    for o in range(4):
        h2_o = jnp.maximum(
            agg[:, o * H:(o + 1) * H] * scale[:, o:o + 1] + b1_ref[...], 0.0)
        onehot_o = (ind_ref[o:o + 1, :] == gids).astype(jnp.float32)
        sums = sums + jnp.dot(onehot_o, h2_o,
                              preferred_element_type=jnp.float32)
        counts = counts + jnp.sum(onehot_o, axis=1, keepdims=True)
    pooled = sums / jnp.maximum(counts, 1.0)
    z = jnp.maximum(
        jnp.dot(pooled, w2_ref[...], preferred_element_type=jnp.float32)
        + b2_ref[...], 0.0)
    logits = (jnp.dot(z, w3_ref[...], preferred_element_type=jnp.float32)
              + b3_ref[...])
    m = jnp.max(logits, axis=-1, keepdims=True)
    ex = jnp.exp(logits - m)
    out_ref[...] = ex / jnp.sum(ex, axis=-1, keepdims=True)


def _tail_call(aggp, degp_r, b1, ind, w2, b2, w3, b3):
    return pl.pallas_call(
        _tail_body,
        out_shape=jax.ShapeDtypeStruct((NG, NCLS), jnp.float32),
    )(aggp, degp_r, b1, ind, w2, b2, w3, b3)


def kernel(x, edge_index, node_indicator, W1, b1, W2, b2, W3, b3):
    ei = edge_index.astype(jnp.int32)
    npe = EPAD - E
    pad_src = (jnp.arange(npe, dtype=jnp.int32) * 97) % N
    pad_dst = N + (jnp.arange(npe, dtype=jnp.int32) % (NPAD - N))
    edge4 = jnp.concatenate(
        [ei, jnp.stack([pad_src, pad_dst])], axis=1).reshape(2, NW, NCH, CH)

    degp = _deg_kernel(edge4)
    degp4 = degp.reshape(NSC, 4, KP)
    x_r = jnp.pad(x, ((0, NPAD - N), (0, 0))).reshape(KP, 4 * DF)
    h_p = _hmat_call(x_r, W1)
    hp_p = _hscale_call(h_p, degp4)
    hp = hp_p.reshape(NPAD, H)
    aggp = _agg_kernel(edge4, hp)
    aggp_r = aggp.reshape(NSC, KP, 4 * H)

    ind = jnp.concatenate(
        [node_indicator.astype(jnp.int32),
         jnp.full((NPAD - N,), NG, jnp.int32)])
    ind4 = ind.reshape(KP, 4).T
    return _tail_call(aggp_r, degp4, b1.reshape(1, H), ind4,
                      W2, b2.reshape(1, DENSE), W3, b3.reshape(1, NCLS))

# --- scband reference (transcript-rebuilt; emitter-appended) ---
"""Pipeline reference for scband-gcn32-mean-56444460204490 (READ-ONLY COPY).

The authoritative reference and input builder live on the scoring server;
editing this copy changes nothing except your own understanding.
"""

import jax, jax.numpy as jnp
import numpy as np

N_NODES = 10000
N_EDGES = 320000
D_FEAT = 128
HIDDEN = 32
DENSE = 512
NUM_CLASSES = 10
NUM_GRAPHS = 64


def setup_inputs(seed: int = 0) -> dict:
    key = jax.random.key(seed)
    k1, k2, k3, k4, k5, k6, k7, k8, k9 = jax.random.split(key, 9)
    x = jax.random.normal(k1, (N_NODES, D_FEAT), dtype=jnp.float32)
    edge_index = jax.random.randint(k2, (2, N_EDGES), 0, N_NODES, dtype=jnp.int64)
    node_indicator = jnp.sort(jax.random.randint(k3, (N_NODES,), 0, NUM_GRAPHS, dtype=jnp.int64))
    # GCN conv weights (features=32)
    W1 = jax.random.normal(k4, (D_FEAT, HIDDEN), dtype=jnp.float32) * (1.0 / np.sqrt(D_FEAT))
    b1 = jnp.zeros((HIDDEN,), dtype=jnp.float32)
    # Dense(512, relu)
    W2 = jax.random.normal(k5, (HIDDEN, DENSE), dtype=jnp.float32) * (1.0 / np.sqrt(HIDDEN))
    b2 = jnp.zeros((DENSE,), dtype=jnp.float32)
    # classifier Dense(num_classes, softmax)
    W3 = jax.random.normal(k6, (DENSE, NUM_CLASSES), dtype=jnp.float32) * (1.0 / np.sqrt(DENSE))
    b3 = jnp.zeros((NUM_CLASSES,), dtype=jnp.float32)
    return {
        "x": x,
        "edge_index": edge_index,
        "node_indicator": node_indicator,
        "W1": W1,
        "b1": b1,
        "W2": W2,
        "b2": b2,
        "W3": W3,
        "b3": b3,
    }


def reference(x, edge_index, node_indicator, W1, b1, W2, b2, W3, b3):
    src = edge_index[0]
    dst = edge_index[1]
    # GCN normalization derived from the adjacency 'filtre': D^{-1/2} A D^{-1/2}
    deg = jnp.bincount(dst, length=N_NODES).astype(jnp.float32)
    deg = jnp.maximum(deg, 1.0)
    norm = jax.lax.rsqrt(deg[src]) * jax.lax.rsqrt(deg[dst])
    # GCN conv: filtre @ (X W) with ReLU (dropout inactive at inference)
    h = x @ W1
    msgs = h[src] * norm[:, None]
    agg = jax.ops.segment_sum(msgs, dst, num_segments=N_NODES)
    h = jax.nn.relu(agg + b1)
    # SimplePool mode='mean': per-graph mean over node_indicator
    sums = jax.ops.segment_sum(h, node_indicator, num_segments=NUM_GRAPHS)
    counts = jax.ops.segment_sum(jnp.ones((N_NODES,), dtype=jnp.float32), node_indicator, num_segments=NUM_GRAPHS)
    pooled = sums / jnp.maximum(counts, 1.0)[:, None]
    # Dense(512, relu)
    z = jax.nn.relu(pooled @ W2 + b2)
    # classifier: Dense(num_classes, softmax)
    logits = z @ W3 + b3
    return jax.nn.softmax(logits, axis=-1)

if __name__ == "__main__":
    import jax
    _d = setup_inputs()
    print(jax.jit(kernel)(*tuple(_d.values())))

</pallas_src>

<mosaic_0001>
#map = affine_map<(d0, d1) -> (0, 0, 0, 0)>
#map1 = affine_map<(d0, d1) -> (0, 0)>
module attributes {stable_mosaic.version = 14 : i64} {
  func.func @_deg_kernel(%arg0: i32, %arg1: i32, %arg2: memref<2x32x80x128xi32, #tpu.memory_space<hbm>>, %arg3: memref<2x10240xf32, #tpu.memory_space<hbm>>, %arg4: memref<80x128xi32, #tpu.memory_space<vmem>>, %arg5: memref<128xf32, #tpu.memory_space<vmem>>, %arg6: memref<640xf32, #tpu.memory_space<vmem>>, %arg7: memref<10240xf32, #tpu.memory_space<vmem_shared>>, %arg8: memref<!tpu.dma_semaphore, #tpu.memory_space<semaphore_mem>>) attributes {dimension_semantics = [#tpu.dimension_semantics<core_parallel>, #tpu.dimension_semantics<subcore_parallel>], iteration_bounds = array<i64: 2, 16>, scalar_prefetch = 0 : i64, scratch_operands = 5 : i64, tpu.core_type = #tpu.core_type<sc_vector_subcore>, window_params = [{transform_indices = #map}, {transform_indices = #map1}]} {
    %mul3A = arith.constant 16 : i32
    %mul3A_0 = arith.muli %arg0, %mul3A : i32
    %add3A = arith.addi %mul3A_0, %arg1 : i32
    %run_scoped3A = arith.constant 1 : i32
    "tpu.region"() ({
      %run_scoped3A_35 = tpu.sem_alloc : memref<!tpu.dma_semaphore, #tpu.memory_space<semaphore_mem>>
      %dma_start3A = arith.constant 0 : i32
      %dma_start3A_36 = arith.constant 0 : i32
      %dma_start3A_37 = tpu.memref_slice %arg2[%run_scoped3A, %add3A, %dma_start3A, %dma_start3A_36] : memref<2x32x80x128xi32, #tpu.memory_space<hbm>> -> memref<1x1x80x128xi32, #tpu.memory_space<hbm>>
      %dma_start3A_38 = tpu.memref_squeeze %dma_start3A_37 : memref<1x1x80x128xi32, #tpu.memory_space<hbm>> -> memref<80x128xi32, #tpu.memory_space<hbm>>
      %dma_start3A_39 = arith.constant 0 : i32
      %dma_start3A_40 = arith.constant 0 : i32
      %dma_start3A_41 = tpu.memref_slice %arg2[%run_scoped3A, %add3A, %dma_start3A_39, %dma_start3A_40] : memref<2x32x80x128xi32, #tpu.memory_space<hbm>> -> memref<1x1x80x128xi32, #tpu.memory_space<hbm>>
      %dma_start3A_42 = tpu.memref_squeeze %dma_start3A_41 : memref<1x1x80x128xi32, #tpu.memory_space<hbm>> -> memref<80x128xi32, #tpu.memory_space<hbm>>
      tpu.enqueue_dma source(%dma_start3A_42 : memref<80x128xi32, #tpu.memory_space<hbm>>) target(%arg4 : memref<80x128xi32, #tpu.memory_space<vmem>>) target_semaphore(%run_scoped3A_35 : memref<!tpu.dma_semaphore, #tpu.memory_space<semaphore_mem>>)
      %dma_wait3A = arith.constant 0 : i32
      %dma_wait3A_43 = arith.constant 0 : i32
      %dma_wait3A_44 = tpu.memref_slice %arg2[%run_scoped3A, %add3A, %dma_wait3A, %dma_wait3A_43] : memref<2x32x80x128xi32, #tpu.memory_space<hbm>> -> memref<1x1x80x128xi32, #tpu.memory_space<hbm>>
      %dma_wait3A_45 = tpu.memref_squeeze %dma_wait3A_44 : memref<1x1x80x128xi32, #tpu.memory_space<hbm>> -> memref<80x128xi32, #tpu.memory_space<hbm>>
      %dma_wait3A_46 = arith.constant 0 : i32
      %dma_wait3A_47 = arith.constant 0 : i32
      %dma_wait3A_48 = tpu.memref_slice %arg2[%run_scoped3A, %add3A, %dma_wait3A_46, %dma_wait3A_47] : memref<2x32x80x128xi32, #tpu.memory_space<hbm>> -> memref<1x1x80x128xi32, #tpu.memory_space<hbm>>
      %dma_wait3A_49 = tpu.memref_squeeze %dma_wait3A_48 : memref<1x1x80x128xi32, #tpu.memory_space<hbm>> -> memref<80x128xi32, #tpu.memory_space<hbm>>
      tpu.wait_dma2 semaphore(%run_scoped3A_35 : memref<!tpu.dma_semaphore, #tpu.memory_space<semaphore_mem>>) src(%dma_wait3A_49 : memref<80x128xi32, #tpu.memory_space<hbm>>) dst(%arg4 : memref<80x128xi32, #tpu.memory_space<vmem>>)
      tpu.yield
    }) : () -> ()
    %scan3A = arith.constant 0 : i32
    %scan3A_1 = arith.constant 0 : i32
    %scan3A_2 = arith.constant 640 : i32
    %scan3A_3 = arith.addi %scan3A_1, %scan3A_2 : i32
    %scan3A_4 = arith.constant 1 : i32
    %scan3A_5 = scf.for %scan3A_35 = %scan3A_1 to %scan3A_3 step %scan3A_4 iter_args(%scan3A_36 = %scan3A) -> (i32)  : i32 {
      %shift_right_arithmetic3A = arith.constant 3 : i32
      %shift_right_arithmetic3A_37 = arith.shrsi %scan3A_35, %shift_right_arithmetic3A : i32
      %and3A = arith.constant 7 : i32
      %and3A_38 = arith.andi %scan3A_35, %and3A : i32
      %mul3A_39 = arith.constant 16 : i32
      %mul3A_40 = arith.muli %and3A_38, %mul3A_39 : i32
      %get3A = arith.index_cast %shift_right_arithmetic3A_37 : i32 to index
      %get3A_41 = arith.index_cast %mul3A_40 : i32 to index
      %get3A_42 = tpu.vector_load %arg4[%get3A, %get3A_41] {strides = array<i32>} : memref<80x128xi32, #tpu.memory_space<vmem>>, vector<1x16xi32>,
      %get3A_43 = vector.shape_cast %get3A_42 : vector<1x16xi32> to vector<16xi32>
      %and3A_44 = arith.constant 3 : i32
      %and3A_45 = vector.broadcast %and3A_44 : i32 to vector<16xi32>
      %and3A_46 = arith.andi %get3A_43, %and3A_45 : vector<16xi32>
      %mul3A_47 = arith.constant 2560 : i32
      %mul3A_48 = vector.broadcast %mul3A_47 : i32 to vector<16xi32>
      %mul3A_49 = arith.muli %and3A_46, %mul3A_48 : vector<16xi32>
      %shift_right_arithmetic3A_50 = arith.constant 2 : i32
      %shift_right_arithmetic3A_51 = vector.broadcast %shift_right_arithmetic3A_50 : i32 to vector<16xi32>
      %shift_right_arithmetic3A_52 = arith.shrsi %get3A_43, %shift_right_arithmetic3A_51 : vector<16xi32>
      %add3A_53 = arith.addi %mul3A_49, %shift_right_arithmetic3A_52 : vector<16xi32>
      %mul3A_54 = arith.constant 16 : i32
      %mul3A_55 = arith.muli %and3A_38, %mul3A_54 : i32
      %swap3A = arith.index_cast %shift_right_arithmetic3A_37 : i32 to index
      %swap3A_56 = arith.index_cast %mul3A_55 : i32 to index
      %swap3A_57 = tpu.vector_load %arg4[%swap3A, %swap3A_56] {strides = array<i32>} : memref<80x128xi32, #tpu.memory_space<vmem>>, vector<1x16xi32>,
      %swap3A_58 = vector.shape_cast %swap3A_57 : vector<1x16xi32> to vector<16xi32>
      %swap3A_59 = vector.shape_cast %add3A_53 : vector<16xi32> to vector<1x16xi32>
      tpu.vector_store %arg4[%swap3A, %swap3A_56], %swap3A_59 {strides = array<i32>} : memref<80x128xi32, #tpu.memory_space<vmem>>, vector<1x16xi32>,
      %scan3A_60 = arith.constant 0 : i32
      scf.yield %scan3A_60 : i32
    }
    %scan3A_6 = arith.constant 640 : i32
    %scan3A_7 = arith.constant 0 : i32
    %scan3A_8 = arith.constant 0 : i32
    %scan3A_9 = arith.constant 8 : i32
    %scan3A_10 = arith.addi %scan3A_8, %scan3A_9 : i32
    %scan3A_11 = arith.constant 1 : i32
    %scan3A_12 = scf.for %scan3A_35 = %scan3A_8 to %scan3A_10 step %scan3A_11 iter_args(%scan3A_36 = %scan3A_7) -> (i32)  : i32 {
      %broadcast_in_dim3A = arith.constant 1.000000e+00 : f32
      %broadcast_in_dim3A_37 = vector.broadcast %broadcast_in_dim3A : f32 to vector<16xf32>
      %mul3A_38 = arith.constant 16 : i32
      %mul3A_39 = arith.muli %scan3A_35, %mul3A_38 : i32
      %swap3A = arith.index_cast %mul3A_39 : i32 to index
      %swap3A_40 = tpu.vector_load %arg5[%swap3A] {strides = array<i32>} : memref<128xf32, #tpu.memory_space<vmem>>, vector<16xf32>,
      %swap3A_41 = vector.shape_cast %swap3A_40 : vector<16xf32> to vector<16xf32>
      %swap3A_42 = vector.shape_cast %broadcast_in_dim3A_37 : vector<16xf32> to vector<16xf32>
      tpu.vector_store %arg5[%swap3A], %swap3A_42 {strides = array<i32>} : memref<128xf32, #tpu.memory_space<vmem>>, vector<16xf32>,
      %scan3A_43 = arith.constant 0 : i32
      scf.yield %scan3A_43 : i32
    }
    %scan3A_13 = arith.constant 8 : i32
    %scan3A_14 = arith.constant 0 : i32
    %scan3A_15 = arith.constant 0 : i32
    %scan3A_16 = arith.constant 40 : i32
    %scan3A_17 = arith.addi %scan3A_15, %scan3A_16 : i32
    %scan3A_18 = arith.constant 1 : i32
    %scan3A_19 = scf.for %scan3A_35 = %scan3A_15 to %scan3A_17 step %scan3A_18 iter_args(%scan3A_36 = %scan3A_14) -> (i32)  : i32 {
      %broadcast_in_dim3A = arith.constant 0.000000e+00 : f32
      %broadcast_in_dim3A_37 = vector.broadcast %broadcast_in_dim3A : f32 to vector<16xf32>
      %mul3A_38 = arith.constant 16 : i32
      %mul3A_39 = arith.muli %scan3A_35, %mul3A_38 : i32
      %swap3A = arith.index_cast %mul3A_39 : i32 to index
      %swap3A_40 = tpu.vector_load %arg6[%swap3A] {strides = array<i32>} : memref<640xf32, #tpu.memory_space<vmem>>, vector<16xf32>,
      %swap3A_41 = vector.shape_cast %swap3A_40 : vector<16xf32> to vector<16xf32>
      %swap3A_42 = vector.shape_cast %broadcast_in_dim3A_37 : vector<16xf32> to vector<16xf32>
      tpu.vector_store %arg6[%swap3A], %swap3A_42 {strides = array<i32>} : memref<640xf32, #tpu.memory_space<vmem>>, vector<16xf32>,
      %scan3A_43 = arith.constant 0 : i32
      scf.yield %scan3A_43 : i32
    }
    %scan3A_20 = arith.constant 40 : i32
    %mul3A_21 = arith.constant 640 : i32
    %mul3A_22 = arith.muli %arg1, %mul3A_21 : i32
    "tpu.region"() ({
      %run_scoped3A_35 = tpu.sem_alloc : memref<!tpu.dma_semaphore, #tpu.memory_space<semaphore_mem>>
      %dma_start3A = tpu.memref_slice %arg7[%mul3A_22] : memref<10240xf32, #tpu.memory_space<vmem_shared>> -> memref<640xf32, #tpu.memory_space<vmem_shared>>
      %dma_start3A_36 = tpu.memref_slice %arg7[%mul3A_22] : memref<10240xf32, #tpu.memory_space<vmem_shared>> -> memref<640xf32, #tpu.memory_space<vmem_shared>>
      tpu.enqueue_dma source(%arg6 : memref<640xf32, #tpu.memory_space<vmem>>) target(%dma_start3A_36 : memref<640xf32, #tpu.memory_space<vmem_shared>>) target_semaphore(%run_scoped3A_35 : memref<!tpu.dma_semaphore, #tpu.memory_space<semaphore_mem>>)
      %dma_wait3A = tpu.memref_slice %arg7[%mul3A_22] : memref<10240xf32, #tpu.memory_space<vmem_shared>> -> memref<640xf32, #tpu.memory_space<vmem_shared>>
      %dma_wait3A_37 = tpu.memref_slice %arg7[%mul3A_22] : memref<10240xf32, #tpu.memory_space<vmem_shared>> -> memref<640xf32, #tpu.memory_space<vmem_shared>>
      tpu.wait_dma2 semaphore(%run_scoped3A_35 : memref<!tpu.dma_semaphore, #tpu.memory_space<semaphore_mem>>) src(%arg6 : memref<640xf32, #tpu.memory_space<vmem>>) dst(%dma_wait3A_37 : memref<640xf32, #tpu.memory_space<vmem_shared>>)
      tpu.yield
    }) : () -> ()
    %barrier3A = arith.constant 0 : index
    tpu.barrier barrier_id(%barrier3A)
    %scan3A_23 = arith.constant 0 : i32
    %scan3A_24 = arith.constant 0 : i32
    %scan3A_25 = arith.constant 10 : i32
    %scan3A_26 = arith.addi %scan3A_24, %scan3A_25 : i32
    %scan3A_27 = arith.constant 1 : i32
    %scan3A_28 = scf.for %scan3A_35 = %scan3A_24 to %scan3A_26 step %scan3A_27 iter_args(%scan3A_36 = %scan3A_23) -> (i32)  : i32 {
      %mul3A_37 = arith.constant 8 : i32
      %mul3A_38 = arith.muli %scan3A_35, %mul3A_37 : i32
      %add3A_39 = arith.constant 0 : i32
      %add3A_40 = arith.addi %mul3A_38, %add3A_39 : i32
      %dma_start3A = arith.constant 0 : i32
      %dma_start3A_41 = tpu.memref_slice %arg4[%add3A_40, %dma_start3A] : memref<80x128xi32, #tpu.memory_space<vmem>> -> memref<1x128xi32, #tpu.memory_space<vmem>>
      %dma_start3A_42 = tpu.memref_squeeze %dma_start3A_41 : memref<1x128xi32, #tpu.memory_space<vmem>> -> memref<128xi32, #tpu.memory_space<vmem>>
      %dma_start3A_43 = arith.constant 0 : i32
      %dma_start3A_44 = tpu.memref_slice %arg7[%dma_start3A_43] : memref<10240xf32, #tpu.memory_space<vmem_shared>> -> memref<10240xf32, #tpu.memory_space<vmem_shared>>
      tpu.enqueue_indirect_dma source(%arg5 : memref<128xf32, #tpu.memory_space<vmem>>) target(%dma_start3A_44 : memref<10240xf32, #tpu.memory_space<vmem_shared>>) offsets(%dma_start3A_42 : memref<128xi32, #tpu.memory_space<vmem>>) semaphore(%arg8 : memref<!tpu.dma_semaphore, #tpu.memory_space<semaphore_mem>>) {add = true}
      %add3A_45 = arith.constant 1 : i32
      %add3A_46 = arith.addi %mul3A_38, %add3A_45 : i32
      %dma_start3A_47 = arith.constant 0 : i32
      %dma_start3A_48 = tpu.memref_slice %arg4[%add3A_46, %dma_start3A_47] : memref<80x128xi32, #tpu.memory_space<vmem>> -> memref<1x128xi32, #tpu.memory_space<vmem>>
      %dma_start3A_49 = tpu.memref_squeeze %dma_start3A_48 : memref<1x128xi32, #tpu.memory_space<vmem>> -> memref<128xi32, #tpu.memory_space<vmem>>
      %dma_start3A_50 = arith.constant 0 : i32
      %dma_start3A_51 = tpu.memref_slice %arg7[%dma_start3A_50] : memref<10240xf32, #tpu.memory_space<vmem_shared>> -> memref<10240xf32, #tpu.memory_space<vmem_shared>>
      tpu.enqueue_indirect_dma source(%arg5 : memref<128xf32, #tpu.memory_space<vmem>>) target(%dma_start3A_51 : memref<10240xf32, #tpu.memory_space<vmem_shared>>) offsets(%dma_start3A_49 : memref<128xi32, #tpu.memory_space<vmem>>) semaphore(%arg8 : memref<!tpu.dma_semaphore, #tpu.memory_space<semaphore_mem>>) {add = true}
      %add3A_52 = arith.constant 2 : i32
      %add3A_53 = arith.addi %mul3A_38, %add3A_52 : i32
      %dma_start3A_54 = arith.constant 0 : i32
      %dma_start3A_55 = tpu.memref_slice %arg4[%add3A_53, %dma_start3A_54] : memref<80x128xi32, #tpu.memory_space<vmem>> -> memref<1x128xi32, #tpu.memory_space<vmem>>
      %dma_start3A_56 = tpu.memref_squeeze %dma_start3A_55 : memref<1x128xi32, #tpu.memory_space<vmem>> -> memref<128xi32, #tpu.memory_space<vmem>>
      %dma_start3A_57 = arith.constant 0 : i32
      %dma_start3A_58 = tpu.memref_slice %arg7[%dma_start3A_57] : memref<10240xf32, #tpu.memory_space<vmem_shared>> -> memref<10240xf32, #tpu.memory_space<vmem_shared>>
      tpu.enqueue_indirect_dma source(%arg5 : memref<128xf32, #tpu.memory_space<vmem>>) target(%dma_start3A_58 : memref<10240xf32, #tpu.memory_space<vmem_shared>>) offsets(%dma_start3A_56 : memref<128xi32, #tpu.memory_space<vmem>>) semaphore(%arg8 : memref<!tpu.dma_semaphore, #tpu.memory_space<semaphore_mem>>) {add = true}
      %add3A_59 = arith.constant 3 : i32
      %add3A_60 = arith.addi %mul3A_38, %add3A_59 : i32
      %dma_start3A_61 = arith.constant 0 : i32
      %dma_start3A_62 = tpu.memref_slice %arg4[%add3A_60, %dma_start3A_61] : memref<80x128xi32, #tpu.memory_space<vmem>> -> memref<1x128xi32, #tpu.memory_space<vmem>>
      %dma_start3A_63 = tpu.memref_squeeze %dma_start3A_62 : memref<1x128xi32, #tpu.memory_space<vmem>> -> memref<128xi32, #tpu.memory_space<vmem>>
      %dma_start3A_64 = arith.constant 0 : i32
      %dma_start3A_65 = tpu.memref_slice %arg7[%dma_start3A_64] : memref<10240xf32, #tpu.memory_space<vmem_shared>> -> memref<10240xf32, #tpu.memory_space<vmem_shared>>
      tpu.enqueue_indirect_dma source(%arg5 : memref<128xf32, #tpu.memory_space<vmem>>) target(%dma_start3A_65 : memref<10240xf32, #tpu.memory_space<vmem_shared>>) offsets(%dma_start3A_63 : memref<128xi32, #tpu.memory_space<vmem>>) semaphore(%arg8 : memref<!tpu.dma_semaphore, #tpu.memory_space<semaphore_mem>>) {add = true}
      %add3A_66 = arith.constant 4 : i32
      %add3A_67 = arith.addi %mul3A_38, %add3A_66 : i32
      %dma_start3A_68 = arith.constant 0 : i32
      %dma_start3A_69 = tpu.memref_slice %arg4[%add3A_67, %dma_start3A_68] : memref<80x128xi32, #tpu.memory_space<vmem>> -> memref<1x128xi32, #tpu.memory_space<vmem>>
      %dma_start3A_70 = tpu.memref_squeeze %dma_start3A_69 : memref<1x128xi32, #tpu.memory_space<vmem>> -> memref<128xi32, #tpu.memory_space<vmem>>
      %dma_start3A_71 = arith.constant 0 : i32
      %dma_start3A_72 = tpu.memref_slice %arg7[%dma_start3A_71] : memref<10240xf32, #tpu.memory_space<vmem_shared>> -> memref<10240xf32, #tpu.memory_space<vmem_shared>>
      tpu.enqueue_indirect_dma source(%arg5 : memref<128xf32, #tpu.memory_space<vmem>>) target(%dma_start3A_72 : memref<10240xf32, #tpu.memory_space<vmem_shared>>) offsets(%dma_start3A_70 : memref<128xi32, #tpu.memory_space<vmem>>) semaphore(%arg8 : memref<!tpu.dma_semaphore, #tpu.memory_space<semaphore_mem>>) {add = true}
      %add3A_73 = arith.constant 5 : i32
      %add3A_74 = arith.addi %mul3A_38, %add3A_73 : i32
      %dma_start3A_75 = arith.constant 0 : i32
      %dma_start3A_76 = tpu.memref_slice %arg4[%add3A_74, %dma_start3A_75] : memref<80x128xi32, #tpu.memory_space<vmem>> -> memref<1x128xi32, #tpu.memory_space<vmem>>
      %dma_start3A_77 = tpu.memref_squeeze %dma_start3A_76 : memref<1x128xi32, #tpu.memory_space<vmem>> -> memref<128xi32, #tpu.memory_space<vmem>>
      %dma_start3A_78 = arith.constant 0 : i32
      %dma_start3A_79 = tpu.memref_slice %arg7[%dma_start3A_78] : memref<10240xf32, #tpu.memory_space<vmem_shared>> -> memref<10240xf32, #tpu.memory_space<vmem_shared>>
      tpu.enqueue_indirect_dma source(%arg5 : memref<128xf32, #tpu.memory_space<vmem>>) target(%dma_start3A_79 : memref<10240xf32, #tpu.memory_space<vmem_shared>>) offsets(%dma_start3A_77 : memref<128xi32, #tpu.memory_space<vmem>>) semaphore(%arg8 : memref<!tpu.dma_semaphore, #tpu.memory_space<semaphore_mem>>) {add = true}
      %add3A_80 = arith.constant 6 : i32
      %add3A_81 = arith.addi %mul3A_38, %add3A_80 : i32
      %dma_start3A_82 = arith.constant 0 : i32
      %dma_start3A_83 = tpu.memref_slice %arg4[%add3A_81, %dma_start3A_82] : memref<80x128xi32, #tpu.memory_space<vmem>> -> memref<1x128xi32, #tpu.memory_space<vmem>>
      %dma_start3A_84 = tpu.memref_squeeze %dma_start3A_83 : memref<1x128xi32, #tpu.memory_space<vmem>> -> memref<128xi32, #tpu.memory_space<vmem>>
      %dma_start3A_85 = arith.constant 0 : i32
      %dma_start3A_86 = tpu.memref_slice %arg7[%dma_start3A_85] : memref<10240xf32, #tpu.memory_space<vmem_shared>> -> memref<10240xf32, #tpu.memory_space<vmem_shared>>
      tpu.enqueue_indirect_dma source(%arg5 : memref<128xf32, #tpu.memory_space<vmem>>) target(%dma_start3A_86 : memref<10240xf32, #tpu.memory_space<vmem_shared>>) offsets(%dma_start3A_84 : memref<128xi32, #tpu.memory_space<vmem>>) semaphore(%arg8 : memref<!tpu.dma_semaphore, #tpu.memory_space<semaphore_mem>>) {add = true}
      %add3A_87 = arith.constant 7 : i32
      %add3A_88 = arith.addi %mul3A_38, %add3A_87 : i32
      %dma_start3A_89 = arith.constant 0 : i32
      %dma_start3A_90 = tpu.memref_slice %arg4[%add3A_88, %dma_start3A_89] : memref<80x128xi32, #tpu.memory_space<vmem>> -> memref<1x128xi32, #tpu.memory_space<vmem>>
      %dma_start3A_91 = tpu.memref_squeeze %dma_start3A_90 : memref<1x128xi32, #tpu.memory_space<vmem>> -> memref<128xi32, #tpu.memory_space<vmem>>
      %dma_start3A_92 = arith.constant 0 : i32
      %dma_start3A_93 = tpu.memref_slice %arg7[%dma_start3A_92] : memref<10240xf32, #tpu.memory_space<vmem_shared>> -> memref<10240xf32, #tpu.memory_space<vmem_shared>>
      tpu.enqueue_indirect_dma source(%arg5 : memref<128xf32, #tpu.memory_space<vmem>>) target(%dma_start3A_93 : memref<10240xf32, #tpu.memory_space<vmem_shared>>) offsets(%dma_start3A_91 : memref<128xi32, #tpu.memory_space<vmem>>) semaphore(%arg8 : memref<!tpu.dma_semaphore, #tpu.memory_space<semaphore_mem>>) {add = true}
      %add3A_94 = arith.constant 0 : i32
      %add3A_95 = arith.addi %mul3A_38, %add3A_94 : i32
      %dma_wait3A = arith.constant 0 : i32
      %dma_wait3A_96 = tpu.memref_slice %arg4[%add3A_95, %dma_wait3A] : memref<80x128xi32, #tpu.memory_space<vmem>> -> memref<1x128xi32, #tpu.memory_space<vmem>>
      %dma_wait3A_97 = tpu.memref_squeeze %dma_wait3A_96 : memref<1x128xi32, #tpu.memory_space<vmem>> -> memref<128xi32, #tpu.memory_space<vmem>>
      %dma_wait3A_98 = arith.constant 0 : i32
      %dma_wait3A_99 = tpu.memref_slice %arg7[%dma_wait3A_98] : memref<10240xf32, #tpu.memory_space<vmem_shared>> -> memref<10240xf32, #tpu.memory_space<vmem_shared>>
      tpu.wait_indirect_dma semaphore(%arg8 : memref<!tpu.dma_semaphore, #tpu.memory_space<semaphore_mem>>) src(%arg5 : memref<128xf32, #tpu.memory_space<vmem>>) dst(%dma_wait3A_99 : memref<10240xf32, #tpu.memory_space<vmem_shared>>)
      %add3A_100 = arith.constant 1 : i32
      %add3A_101 = arith.addi %mul3A_38, %add3A_100 : i32
      %dma_wait3A_102 = arith.constant 0 : i32
      %dma_wait3A_103 = tpu.memref_slice %arg4[%add3A_101, %dma_wait3A_102] : memref<80x128xi32, #tpu.memory_space<vmem>> -> memref<1x128xi32, #tpu.memory_space<vmem>>
      %dma_wait3A_104 = tpu.memref_squeeze %dma_wait3A_103 : memref<1x128xi32, #tpu.memory_space<vmem>> -> memref<128xi32, #tpu.memory_space<vmem>>
      %dma_wait3A_105 = arith.constant 0 : i32
      %dma_wait3A_106 = tpu.memref_slice %arg7[%dma_wait3A_105] : memref<10240xf32, #tpu.memory_space<vmem_shared>> -> memref<10240xf32, #tpu.memory_space<vmem_shared>>
      tpu.wait_indirect_dma semaphore(%arg8 : memref<!tpu.dma_semaphore, #tpu.memory_space<semaphore_mem>>) src(%arg5 : memref<128xf32, #tpu.memory_space<vmem>>) dst(%dma_wait3A_106 : memref<10240xf32, #tpu.memory_space<vmem_shared>>)
      %add3A_107 = arith.constant 2 : i32
      %add3A_108 = arith.addi %mul3A_38, %add3A_107 : i32
      %dma_wait3A_109 = arith.constant 0 : i32
      %dma_wait3A_110 = tpu.memref_slice %arg4[%add3A_108, %dma_wait3A_109] : memref<80x128xi32, #tpu.memory_space<vmem>> -> memref<1x128xi32, #tpu.memory_space<vmem>>
      %dma_wait3A_111 = tpu.memref_squeeze %dma_wait3A_110 : memref<1x128xi32, #tpu.memory_space<vmem>> -> memref<128xi32, #tpu.memory_space<vmem>>
      %dma_wait3A_112 = arith.constant 0 : i32
      %dma_wait3A_113 = tpu.memref_slice %arg7[%dma_wait3A_112] : memref<10240xf32, #tpu.memory_space<vmem_shared>> -> memref<10240xf32, #tpu.memory_space<vmem_shared>>
      tpu.wait_indirect_dma semaphore(%arg8 : memref<!tpu.dma_semaphore, #tpu.memory_space<semaphore_mem>>) src(%arg5 : memref<128xf32, #tpu.memory_space<vmem>>) dst(%dma_wait3A_113 : memref<10240xf32, #tpu.memory_space<vmem_shared>>)
      %add3A_114 = arith.constant 3 : i32
      %add3A_115 = arith.addi %mul3A_38, %add3A_114 : i32
      %dma_wait3A_116 = arith.constant 0 : i32
      %dma_wait3A_117 = tpu.memref_slice %arg4[%add3A_115, %dma_wait3A_116] : memref<80x128xi32, #tpu.memory_space<vmem>> -> memref<1x128xi32, #tpu.memory_space<vmem>>
      %dma_wait3A_118 = tpu.memref_squeeze %dma_wait3A_117 : memref<1x128xi32, #tpu.memory_space<vmem>> -> memref<128xi32, #tpu.memory_space<vmem>>
      %dma_wait3A_119 = arith.constant 0 : i32
      %dma_wait3A_120 = tpu.memref_slice %arg7[%dma_wait3A_119] : memref<10240xf32, #tpu.memory_space<vmem_shared>> -> memref<10240xf32, #tpu.memory_space<vmem_shared>>
      tpu.wait_indirect_dma semaphore(%arg8 : memref<!tpu.dma_semaphore, #tpu.memory_space<semaphore_mem>>) src(%arg5 : memref<128xf32, #tpu.memory_space<vmem>>) dst(%dma_wait3A_120 : memref<10240xf32, #tpu.memory_space<vmem_shared>>)
      %add3A_121 = arith.constant 4 : i32
      %add3A_122 = arith.addi %mul3A_38, %add3A_121 : i32
      %dma_wait3A_123 = arith.constant 0 : i32
      %dma_wait3A_124 = tpu.memref_slice %arg4[%add3A_122, %dma_wait3A_123] : memref<80x128xi32, #tpu.memory_space<vmem>> -> memref<1x128xi32, #tpu.memory_space<vmem>>
      %dma_wait3A_125 = tpu.memref_squeeze %dma_wait3A_124 : memref<1x128xi32, #tpu.memory_space<vmem>> -> memref<128xi32, #tpu.memory_space<vmem>>
      %dma_wait3A_126 = arith.constant 0 : i32
      %dma_wait3A_127 = tpu.memref_slice %arg7[%dma_wait3A_126] : memref<10240xf32, #tpu.memory_space<vmem_shared>> -> memref<10240xf32, #tpu.memory_space<vmem_shared>>
      tpu.wait_indirect_dma semaphore(%arg8 : memref<!tpu.dma_semaphore, #tpu.memory_space<semaphore_mem>>) src(%arg5 : memref<128xf32, #tpu.memory_space<vmem>>) dst(%dma_wait3A_127 : memref<10240xf32, #tpu.memory_space<vmem_shared>>)
      %add3A_128 = arith.constant 5 : i32
      %add3A_129 = arith.addi %mul3A_38, %add3A_128 : i32
      %dma_wait3A_130 = arith.constant 0 : i32
      %dma_wait3A_131 = tpu.memref_slice %arg4[%add3A_129, %dma_wait3A_130] : memref<80x128xi32, #tpu.memory_space<vmem>> -> memref<1x128xi32, #tpu.memory_space<vmem>>
      %dma_wait3A_132 = tpu.memref_squeeze %dma_wait3A_131 : memref<1x128xi32, #tpu.memory_space<vmem>> -> memref<128xi32, #tpu.memory_space<vmem>>
      %dma_wait3A_133 = arith.constant 0 : i32
      %dma_wait3A_134 = tpu.memref_slice %arg7[%dma_wait3A_133] : memref<10240xf32, #tpu.memory_space<vmem_shared>> -> memref<10240xf32, #tpu.memory_space<vmem_shared>>
      tpu.wait_indirect_dma semaphore(%arg8 : memref<!tpu.dma_semaphore, #tpu.memory_space<semaphore_mem>>) src(%arg5 : memref<128xf32, #tpu.memory_space<vmem>>) dst(%dma_wait3A_134 : memref<10240xf32, #tpu.memory_space<vmem_shared>>)
      %add3A_135 = arith.constant 6 : i32
      %add3A_136 = arith.addi %mul3A_38, %add3A_135 : i32
      %dma_wait3A_137 = arith.constant 0 : i32
      %dma_wait3A_138 = tpu.memref_slice %arg4[%add3A_136, %dma_wait3A_137] : memref<80x128xi32, #tpu.memory_space<vmem>> -> memref<1x128xi32, #tpu.memory_space<vmem>>
      %dma_wait3A_139 = tpu.memref_squeeze %dma_wait3A_138 : memref<1x128xi32, #tpu.memory_space<vmem>> -> memref<128xi32, #tpu.memory_space<vmem>>
      %dma_wait3A_140 = arith.constant 0 : i32
      %dma_wait3A_141 = tpu.memref_slice %arg7[%dma_wait3A_140] : memref<10240xf32, #tpu.memory_space<vmem_shared>> -> memref<10240xf32, #tpu.memory_space<vmem_shared>>
      tpu.wait_indirect_dma semaphore(%arg8 : memref<!tpu.dma_semaphore, #tpu.memory_space<semaphore_mem>>) src(%arg5 : memref<128xf32, #tpu.memory_space<vmem>>) dst(%dma_wait3A_141 : memref<10240xf32, #tpu.memory_space<vmem_shared>>)
      %add3A_142 = arith.constant 7 : i32
      %add3A_143 = arith.addi %mul3A_38, %add3A_142 : i32
      %dma_wait3A_144 = arith.constant 0 : i32
      %dma_wait3A_145 = tpu.memref_slice %arg4[%add3A_143, %dma_wait3A_144] : memref<80x128xi32, #tpu.memory_space<vmem>> -> memref<1x128xi32, #tpu.memory_space<vmem>>
      %dma_wait3A_146 = tpu.memref_squeeze %dma_wait3A_145 : memref<1x128xi32, #tpu.memory_space<vmem>> -> memref<128xi32, #tpu.memory_space<vmem>>
      %dma_wait3A_147 = arith.constant 0 : i32
      %dma_wait3A_148 = tpu.memref_slice %arg7[%dma_wait3A_147] : memref<10240xf32, #tpu.memory_space<vmem_shared>> -> memref<10240xf32, #tpu.memory_space<vmem_shared>>
      tpu.wait_indirect_dma semaphore(%arg8 : memref<!tpu.dma_semaphore, #tpu.memory_space<semaphore_mem>>) src(%arg5 : memref<128xf32, #tpu.memory_space<vmem>>) dst(%dma_wait3A_148 : memref<10240xf32, #tpu.memory_space<vmem_shared>>)
      %scan3A_149 = arith.constant 0 : i32
      scf.yield %scan3A_149 : i32
    }
    %scan3A_29 = arith.constant 10 : i32
    %barrier3A_30 = arith.constant 0 : index
    tpu.barrier barrier_id(%barrier3A_30)
    %mul3A_31 = arith.constant 640 : i32
    %mul3A_32 = arith.muli %arg1, %mul3A_31 : i32
    %mul3A_33 = arith.constant 640 : i32
    %mul3A_34 = arith.muli %arg1, %mul3A_33 : i32
    "tpu.region"() ({
      %run_scoped3A_35 = tpu.sem_alloc : memref<!tpu.dma_semaphore, #tpu.memory_space<semaphore_mem>>
      %dma_start3A = tpu.memref_slice %arg3[%arg0, %mul3A_34] : memref<2x10240xf32, #tpu.memory_space<hbm>> -> memref<1x640xf32, #tpu.memory_space<hbm>>
      %dma_start3A_36 = tpu.memref_squeeze %dma_start3A : memref<1x640xf32, #tpu.memory_space<hbm>> -> memref<640xf32, #tpu.memory_space<hbm>>
      %dma_start3A_37 = tpu.memref_slice %arg7[%mul3A_32] : memref<10240xf32, #tpu.memory_space<vmem_shared>> -> memref<640xf32, #tpu.memory_space<vmem_shared>>
      tpu.enqueue_dma source(%dma_start3A_37 : memref<640xf32, #tpu.memory_space<vmem_shared>>) target(%dma_start3A_36 : memref<640xf32, #tpu.memory_space<hbm>>) target_semaphore(%run_scoped3A_35 : memref<!tpu.dma_semaphore, #tpu.memory_space<semaphore_mem>>)
      %dma_wait3A = tpu.memref_slice %arg3[%arg0, %mul3A_34] : memref<2x10240xf32, #tpu.memory_space<hbm>> -> memref<1x640xf32, #tpu.memory_space<hbm>>
      %dma_wait3A_38 = tpu.memref_squeeze %dma_wait3A : memref<1x640xf32, #tpu.memory_space<hbm>> -> memref<640xf32, #tpu.memory_space<hbm>>
      %dma_wait3A_39 = tpu.memref_slice %arg7[%mul3A_32] : memref<10240xf32, #tpu.memory_space<vmem_shared>> -> memref<640xf32, #tpu.memory_space<vmem_shared>>
      tpu.wait_dma2 semaphore(%run_scoped3A_35 : memref<!tpu.dma_semaphore, #tpu.memory_space<semaphore_mem>>) src(%dma_wait3A_39 : memref<640xf32, #tpu.memory_space<vmem_shared>>) dst(%dma_wait3A_38 : memref<640xf32, #tpu.memory_space<hbm>>)
      tpu.yield
    }) : () -> ()
    return
  }
}

#map = affine_map<(d0, d1) -> (0, 0, 0, 0)>
#map1 = affine_map<(d0, d1) -> (0, 0)>
#map2 = affine_map<(d0, d1) -> (0, 0, 0)>
module attributes {stable_mosaic.version = 14 : i64} {
  func.func @_agg_kernel(%arg0: i32, %arg1: i32, %arg2: memref<2x32x80x128xi32, #tpu.memory_space<hbm>>, %arg3: memref<10240x32xf32, #tpu.memory_space<hbm>>, %arg4: memref<2x10240x32xf32, #tpu.memory_space<hbm>>, %arg5: memref<80x128xi32, #tpu.memory_space<vmem>>, %arg6: memref<80x128xi32, #tpu.memory_space<vmem>>, %arg7: memref<128x32xf32, #tpu.memory_space<vmem>>, %arg8: memref<128x32xf32, #tpu.memory_space<vmem>>, %arg9: memref<128x32xf32, #tpu.memory_space<vmem>>, %arg10: memref<128x32xf32, #tpu.memory_space<vmem>>, %arg11: memref<128x32xf32, #tpu.memory_space<vmem>>, %arg12: memref<128x32xf32, #tpu.memory_space<vmem>>, %arg13: memref<128x32xf32, #tpu.memory_space<vmem>>, %arg14: memref<128x32xf32, #tpu.memory_space<vmem>>, %arg15: memref<640x32xf32, #tpu.memory_space<vmem>>, %arg16: memref<10240x32xf32, #tpu.memory_space<vmem_shared>>, %arg17: memref<!tpu.dma_semaphore, #tpu.memory_space<semaphore_mem>>, %arg18: memref<!tpu.dma_semaphore, #tpu.memory_space<semaphore_mem>>, %arg19: memref<!tpu.dma_semaphore, #tpu.memory_space<semaphore_mem>>, %arg20: memref<!tpu.dma_semaphore, #tpu.memory_space<semaphore_mem>>, %arg21: memref<!tpu.dma_semaphore, #tpu.memory_space<semaphore_mem>>, %arg22: memref<!tpu.dma_semaphore, #tpu.memory_space<semaphore_mem>>, %arg23: memref<!tpu.dma_semaphore, #tpu.memory_space<semaphore_mem>>, %arg24: memref<!tpu.dma_semaphore, #tpu.memory_space<semaphore_mem>>, %arg25: memref<!tpu.dma_semaphore, #tpu.memory_space<semaphore_mem>>, %arg26: memref<!tpu.dma_semaphore, #tpu.memory_space<semaphore_mem>>, %arg27: memref<!tpu.dma_semaphore, #tpu.memory_space<semaphore_mem>>, %arg28: memref<!tpu.dma_semaphore, #tpu.memory_space<semaphore_mem>>, %arg29: memref<!tpu.dma_semaphore, #tpu.memory_space<semaphore_mem>>, %arg30: memref<!tpu.dma_semaphore, #tpu.memory_space<semaphore_mem>>, %arg31: memref<!tpu.dma_semaphore, #tpu.memory_space<semaphore_mem>>, %arg32: memref<!tpu.dma_semaphore, #tpu.memory_space<semaphore_mem>>) attributes {dimension_semantics = [#tpu.dimension_semantics<core_parallel>, #tpu.dimension_semantics<subcore_parallel>], iteration_bounds = array<i64: 2, 16>, scalar_prefetch = 0 : i64, scratch_operands = 28 : i64, tpu.core_type = #tpu.core_type<sc_vector_subcore>, window_params = [{transform_indices = #map}, {transform_indices = #map1}, {transform_indices = #map2}]} {
    %mul3A = arith.constant 16 : i32
    %mul3A_0 = arith.muli %arg0, %mul3A : i32
    %add3A = arith.addi %mul3A_0, %arg1 : i32
    %run_scoped3A = arith.constant 0 : i32
    "tpu.region"() ({
      %run_scoped3A_125 = tpu.sem_alloc : memref<!tpu.dma_semaphore, #tpu.memory_space<semaphore_mem>>
      %dma_start3A_126 = arith.constant 0 : i32
      %dma_start3A_127 = arith.constant 0 : i32
      %dma_start3A_128 = tpu.memref_slice %arg2[%run_scoped3A, %add3A, %dma_start3A_126, %dma_start3A_127] : memref<2x32x80x128xi32, #tpu.memory_space<hbm>> -> memref<1x1x80x128xi32, #tpu.memory_space<hbm>>
      %dma_start3A_129 = tpu.memref_squeeze %dma_start3A_128 : memref<1x1x80x128xi32, #tpu.memory_space<hbm>> -> memref<80x128xi32, #tpu.memory_space<hbm>>
      %dma_start3A_130 = arith.constant 0 : i32
      %dma_start3A_131 = arith.constant 0 : i32
      %dma_start3A_132 = tpu.memref_slice %arg2[%run_scoped3A, %add3A, %dma_start3A_130, %dma_start3A_131] : memref<2x32x80x128xi32, #tpu.memory_space<hbm>> -> memref<1x1x80x128xi32, #tpu.memory_space<hbm>>
      %dma_start3A_133 = tpu.memref_squeeze %dma_start3A_132 : memref<1x1x80x128xi32, #tpu.memory_space<hbm>> -> memref<80x128xi32, #tpu.memory_space<hbm>>
      tpu.enqueue_dma source(%dma_start3A_133 : memref<80x128xi32, #tpu.memory_space<hbm>>) target(%arg5 : memref<80x128xi32, #tpu.memory_space<vmem>>) target_semaphore(%run_scoped3A_125 : memref<!tpu.dma_semaphore, #tpu.memory_space<semaphore_mem>>)
      %dma_wait3A_134 = arith.constant 0 : i32
      %dma_wait3A_135 = arith.constant 0 : i32
      %dma_wait3A_136 = tpu.memref_slice %arg2[%run_scoped3A, %add3A, %dma_wait3A_134, %dma_wait3A_135] : memref<2x32x80x128xi32, #tpu.memory_space<hbm>> -> memref<1x1x80x128xi32, #tpu.memory_space<hbm>>
      %dma_wait3A_137 = tpu.memref_squeeze %dma_wait3A_136 : memref<1x1x80x128xi32, #tpu.memory_space<hbm>> -> memref<80x128xi32, #tpu.memory_space<hbm>>
      %dma_wait3A_138 = arith.constant 0 : i32
      %dma_wait3A_139 = arith.constant 0 : i32
      %dma_wait3A_140 = tpu.memref_slice %arg2[%run_scoped3A, %add3A, %dma_wait3A_138, %dma_wait3A_139] : memref<2x32x80x128xi32, #tpu.memory_space<hbm>> -> memref<1x1x80x128xi32, #tpu.memory_space<hbm>>
      %dma_wait3A_141 = tpu.memref_squeeze %dma_wait3A_140 : memref<1x1x80x128xi32, #tpu.memory_space<hbm>> -> memref<80x128xi32, #tpu.memory_space<hbm>>
      tpu.wait_dma2 semaphore(%run_scoped3A_125 : memref<!tpu.dma_semaphore, #tpu.memory_space<semaphore_mem>>) src(%dma_wait3A_141 : memref<80x128xi32, #tpu.memory_space<hbm>>) dst(%arg5 : memref<80x128xi32, #tpu.memory_space<vmem>>)
      tpu.yield
    }) : () -> ()
    %run_scoped3A_1 = arith.constant 1 : i32
    "tpu.region"() ({
      %run_scoped3A_125 = tpu.sem_alloc : memref<!tpu.dma_semaphore, #tpu.memory_space<semaphore_mem>>
      %dma_start3A_126 = arith.constant 0 : i32
      %dma_start3A_127 = arith.constant 0 : i32
      %dma_start3A_128 = tpu.memref_slice %arg2[%run_scoped3A_1, %add3A, %dma_start3A_126, %dma_start3A_127] : memref<2x32x80x128xi32, #tpu.memory_space<hbm>> -> memref<1x1x80x128xi32, #tpu.memory_space<hbm>>
      %dma_start3A_129 = tpu.memref_squeeze %dma_start3A_128 : memref<1x1x80x128xi32, #tpu.memory_space<hbm>> -> memref<80x128xi32, #tpu.memory_space<hbm>>
      %dma_start3A_130 = arith.constant 0 : i32
      %dma_start3A_131 = arith.constant 0 : i32
      %dma_start3A_132 = tpu.memref_slice %arg2[%run_scoped3A_1, %add3A, %dma_start3A_130, %dma_start3A_131] : memref<2x32x80x128xi32, #tpu.memory_space<hbm>> -> memref<1x1x80x128xi32, #tpu.memory_space<hbm>>
      %dma_start3A_133 = tpu.memref_squeeze %dma_start3A_132 : memref<1x1x80x128xi32, #tpu.memory_space<hbm>> -> memref<80x128xi32, #tpu.memory_space<hbm>>
      tpu.enqueue_dma source(%dma_start3A_133 : memref<80x128xi32, #tpu.memory_space<hbm>>) target(%arg6 : memref<80x128xi32, #tpu.memory_space<vmem>>) target_semaphore(%run_scoped3A_125 : memref<!tpu.dma_semaphore, #tpu.memory_space<semaphore_mem>>)
      %dma_wait3A_134 = arith.constant 0 : i32
      %dma_wait3A_135 = arith.constant 0 : i32
      %dma_wait3A_136 = tpu.memref_slice %arg2[%run_scoped3A_1, %add3A, %dma_wait3A_134, %dma_wait3A_135] : memref<2x32x80x128xi32, #tpu.memory_space<hbm>> -> memref<1x1x80x128xi32, #tpu.memory_space<hbm>>
      %dma_wait3A_137 = tpu.memref_squeeze %dma_wait3A_136 : memref<1x1x80x128xi32, #tpu.memory_space<hbm>> -> memref<80x128xi32, #tpu.memory_space<hbm>>
      %dma_wait3A_138 = arith.constant 0 : i32
      %dma_wait3A_139 = arith.constant 0 : i32
      %dma_wait3A_140 = tpu.memref_slice %arg2[%run_scoped3A_1, %add3A, %dma_wait3A_138, %dma_wait3A_139] : memref<2x32x80x128xi32, #tpu.memory_space<hbm>> -> memref<1x1x80x128xi32, #tpu.memory_space<hbm>>
      %dma_wait3A_141 = tpu.memref_squeeze %dma_wait3A_140 : memref<1x1x80x128xi32, #tpu.memory_space<hbm>> -> memref<80x128xi32, #tpu.memory_space<hbm>>
      tpu.wait_dma2 semaphore(%run_scoped3A_125 : memref<!tpu.dma_semaphore, #tpu.memory_space<semaphore_mem>>) src(%dma_wait3A_141 : memref<80x128xi32, #tpu.memory_space<hbm>>) dst(%arg6 : memref<80x128xi32, #tpu.memory_space<vmem>>)
      tpu.yield
    }) : () -> ()
    %scan3A = arith.constant 0 : i32
    %scan3A_2 = arith.constant 0 : i32
    %scan3A_3 = arith.constant 640 : i32
    %scan3A_4 = arith.addi %scan3A_2, %scan3A_3 : i32
    %scan3A_5 = arith.constant 1 : i32
    %scan3A_6 = scf.for %scan3A_125 = %scan3A_2 to %scan3A_4 step %scan3A_5 iter_args(%scan3A_126 = %scan3A) -> (i32)  : i32 {
      %broadcast_in_dim3A = arith.constant 0.000000e+00 : f32
      %broadcast_in_dim3A_127 = vector.broadcast %broadcast_in_dim3A : f32 to vector<16xf32>
      %swap3A = arith.index_cast %scan3A_125 : i32 to index
      %swap3A_128 = arith.constant 0 : index
      %swap3A_129 = tpu.vector_load %arg15[%swap3A, %swap3A_128] {strides = array<i32>} : memref<640x32xf32, #tpu.memory_space<vmem>>, vector<1x16xf32>,
      %swap3A_130 = vector.shape_cast %swap3A_129 : vector<1x16xf32> to vector<16xf32>
      %swap3A_131 = vector.shape_cast %broadcast_in_dim3A_127 : vector<16xf32> to vector<1x16xf32>
      tpu.vector_store %arg15[%swap3A, %swap3A_128], %swap3A_131 {strides = array<i32>} : memref<640x32xf32, #tpu.memory_space<vmem>>, vector<1x16xf32>,
      %broadcast_in_dim3A_132 = arith.constant 0.000000e+00 : f32
      %broadcast_in_dim3A_133 = vector.broadcast %broadcast_in_dim3A_132 : f32 to vector<16xf32>
      %swap3A_134 = arith.index_cast %scan3A_125 : i32 to index
      %swap3A_135 = arith.constant 16 : index
      %swap3A_136 = tpu.vector_load %arg15[%swap3A_134, %swap3A_135] {strides = array<i32>} : memref<640x32xf32, #tpu.memory_space<vmem>>, vector<1x16xf32>,
      %swap3A_137 = vector.shape_cast %swap3A_136 : vector<1x16xf32> to vector<16xf32>
      %swap3A_138 = vector.shape_cast %broadcast_in_dim3A_133 : vector<16xf32> to vector<1x16xf32>
      tpu.vector_store %arg15[%swap3A_134, %swap3A_135], %swap3A_138 {strides = array<i32>} : memref<640x32xf32, #tpu.memory_space<vmem>>, vector<1x16xf32>,
      %scan3A_139 = arith.constant 0 : i32
      scf.yield %scan3A_139 : i32
    }
    %scan3A_7 = arith.constant 640 : i32
    %mul3A_8 = arith.constant 640 : i32
    %mul3A_9 = arith.muli %arg1, %mul3A_8 : i32
    "tpu.region"() ({
      %run_scoped3A_125 = tpu.sem_alloc : memref<!tpu.dma_semaphore, #tpu.memory_space<semaphore_mem>>
      %dma_start3A_126 = arith.constant 0 : i32
      %dma_start3A_127 = tpu.memref_slice %arg16[%mul3A_9, %dma_start3A_126] : memref<10240x32xf32, #tpu.memory_space<vmem_shared>> -> memref<640x32xf32, #tpu.memory_space<vmem_shared>>
      %dma_start3A_128 = arith.constant 0 : i32
      %dma_start3A_129 = tpu.memref_slice %arg16[%mul3A_9, %dma_start3A_128] : memref<10240x32xf32, #tpu.memory_space<vmem_shared>> -> memref<640x32xf32, #tpu.memory_space<vmem_shared>>
      tpu.enqueue_dma source(%arg15 : memref<640x32xf32, #tpu.memory_space<vmem>>) target(%dma_start3A_129 : memref<640x32xf32, #tpu.memory_space<vmem_shared>>) target_semaphore(%run_scoped3A_125 : memref<!tpu.dma_semaphore, #tpu.memory_space<semaphore_mem>>)
      %dma_wait3A_130 = arith.constant 0 : i32
      %dma_wait3A_131 = tpu.memref_slice %arg16[%mul3A_9, %dma_wait3A_130] : memref<10240x32xf32, #tpu.memory_space<vmem_shared>> -> memref<640x32xf32, #tpu.memory_space<vmem_shared>>
      %dma_wait3A_132 = arith.constant 0 : i32
      %dma_wait3A_133 = tpu.memref_slice %arg16[%mul3A_9, %dma_wait3A_132] : memref<10240x32xf32, #tpu.memory_space<vmem_shared>> -> memref<640x32xf32, #tpu.memory_space<vmem_shared>>
      tpu.wait_dma2 semaphore(%run_scoped3A_125 : memref<!tpu.dma_semaphore, #tpu.memory_space<semaphore_mem>>) src(%arg15 : memref<640x32xf32, #tpu.memory_space<vmem>>) dst(%dma_wait3A_133 : memref<640x32xf32, #tpu.memory_space<vmem_shared>>)
      tpu.yield
    }) : () -> ()
    %barrier3A = arith.constant 0 : index
    tpu.barrier barrier_id(%barrier3A)
    %dma_start3A = arith.constant 0 : i32
    %dma_start3A_10 = arith.constant 0 : i32
    %dma_start3A_11 = tpu.memref_slice %arg5[%dma_start3A, %dma_start3A_10] : memref<80x128xi32, #tpu.memory_space<vmem>> -> memref<1x128xi32, #tpu.memory_space<vmem>>
    %dma_start3A_12 = tpu.memref_squeeze %dma_start3A_11 : memref<1x128xi32, #tpu.memory_space<vmem>> -> memref<128xi32, #tpu.memory_space<vmem>>
    %dma_start3A_13 = arith.constant 0 : i32
    %dma_start3A_14 = arith.constant 0 : i32
    %dma_start3A_15 = tpu.memref_slice %arg3[%dma_start3A_13, %dma_start3A_14] : memref<10240x32xf32, #tpu.memory_space<hbm>> -> memref<10240x32xf32, #tpu.memory_space<hbm>>
    tpu.enqueue_indirect_dma source(%dma_start3A_15 : memref<10240x32xf32, #tpu.memory_space<hbm>>) target(%arg7 : memref<128x32xf32, #tpu.memory_space<vmem>>) offsets(%dma_start3A_12 : memref<128xi32, #tpu.memory_space<vmem>>) semaphore(%arg17 : memref<!tpu.dma_semaphore, #tpu.memory_space<semaphore_mem>>)
    %dma_start3A_16 = arith.constant 1 : i32
    %dma_start3A_17 = arith.constant 0 : i32
    %dma_start3A_18 = tpu.memref_slice %arg5[%dma_start3A_16, %dma_start3A_17] : memref<80x128xi32, #tpu.memory_space<vmem>> -> memref<1x128xi32, #tpu.memory_space<vmem>>
    %dma_start3A_19 = tpu.memref_squeeze %dma_start3A_18 : memref<1x128xi32, #tpu.memory_space<vmem>> -> memref<128xi32, #tpu.memory_space<vmem>>
    %dma_start3A_20 = arith.constant 0 : i32
    %dma_start3A_21 = arith.constant 0 : i32
    %dma_start3A_22 = tpu.memref_slice %arg3[%dma_start3A_20, %dma_start3A_21] : memref<10240x32xf32, #tpu.memory_space<hbm>> -> memref<10240x32xf32, #tpu.memory_space<hbm>>
    tpu.enqueue_indirect_dma source(%dma_start3A_22 : memref<10240x32xf32, #tpu.memory_space<hbm>>) target(%arg8 : memref<128x32xf32, #tpu.memory_space<vmem>>) offsets(%dma_start3A_19 : memref<128xi32, #tpu.memory_space<vmem>>) semaphore(%arg18 : memref<!tpu.dma_semaphore, #tpu.memory_space<semaphore_mem>>)
    %dma_start3A_23 = arith.constant 2 : i32
    %dma_start3A_24 = arith.constant 0 : i32
    %dma_start3A_25 = tpu.memref_slice %arg5[%dma_start3A_23, %dma_start3A_24] : memref<80x128xi32, #tpu.memory_space<vmem>> -> memref<1x128xi32, #tpu.memory_space<vmem>>
    %dma_start3A_26 = tpu.memref_squeeze %dma_start3A_25 : memref<1x128xi32, #tpu.memory_space<vmem>> -> memref<128xi32, #tpu.memory_space<vmem>>
    %dma_start3A_27 = arith.constant 0 : i32
    %dma_start3A_28 = arith.constant 0 : i32
    %dma_start3A_29 = tpu.memref_slice %arg3[%dma_start3A_27, %dma_start3A_28] : memref<10240x32xf32, #tpu.memory_space<hbm>> -> memref<10240x32xf32, #tpu.memory_space<hbm>>
    tpu.enqueue_indirect_dma source(%dma_start3A_29 : memref<10240x32xf32, #tpu.memory_space<hbm>>) target(%arg9 : memref<128x32xf32, #tpu.memory_space<vmem>>) offsets(%dma_start3A_26 : memref<128xi32, #tpu.memory_space<vmem>>) semaphore(%arg19 : memref<!tpu.dma_semaphore, #tpu.memory_space<semaphore_mem>>)
    %dma_start3A_30 = arith.constant 3 : i32
    %dma_start3A_31 = arith.constant 0 : i32
    %dma_start3A_32 = tpu.memref_slice %arg5[%dma_start3A_30, %dma_start3A_31] : memref<80x128xi32, #tpu.memory_space<vmem>> -> memref<1x128xi32, #tpu.memory_space<vmem>>
    %dma_start3A_33 = tpu.memref_squeeze %dma_start3A_32 : memref<1x128xi32, #tpu.memory_space<vmem>> -> memref<128xi32, #tpu.memory_space<vmem>>
    %dma_start3A_34 = arith.constant 0 : i32
    %dma_start3A_35 = arith.constant 0 : i32
    %dma_start3A_36 = tpu.memref_slice %arg3[%dma_start3A_34, %dma_start3A_35] : memref<10240x32xf32, #tpu.memory_space<hbm>> -> memref<10240x32xf32, #tpu.memory_space<hbm>>
    tpu.enqueue_indirect_dma source(%dma_start3A_36 : memref<10240x32xf32, #tpu.memory_space<hbm>>) target(%arg10 : memref<128x32xf32, #tpu.memory_space<vmem>>) offsets(%dma_start3A_33 : memref<128xi32, #tpu.memory_space<vmem>>) semaphore(%arg20 : memref<!tpu.dma_semaphore, #tpu.memory_space<semaphore_mem>>)
    %dma_start3A_37 = arith.constant 4 : i32
    %dma_start3A_38 = arith.constant 0 : i32
    %dma_start3A_39 = tpu.memref_slice %arg5[%dma_start3A_37, %dma_start3A_38] : memref<80x128xi32, #tpu.memory_space<vmem>> -> memref<1x128xi32, #tpu.memory_space<vmem>>
    %dma_start3A_40 = tpu.memref_squeeze %dma_start3A_39 : memref<1x128xi32, #tpu.memory_space<vmem>> -> memref<128xi32, #tpu.memory_space<vmem>>
    %dma_start3A_41 = arith.constant 0 : i32
    %dma_start3A_42 = arith.constant 0 : i32
    %dma_start3A_43 = tpu.memref_slice %arg3[%dma_start3A_41, %dma_start3A_42] : memref<10240x32xf32, #tpu.memory_space<hbm>> -> memref<10240x32xf32, #tpu.memory_space<hbm>>
    tpu.enqueue_indirect_dma source(%dma_start3A_43 : memref<10240x32xf32, #tpu.memory_space<hbm>>) target(%arg11 : memref<128x32xf32, #tpu.memory_space<vmem>>) offsets(%dma_start3A_40 : memref<128xi32, #tpu.memory_space<vmem>>) semaphore(%arg21 : memref<!tpu.dma_semaphore, #tpu.memory_space<semaphore_mem>>)
    %dma_start3A_44 = arith.constant 5 : i32
    %dma_start3A_45 = arith.constant 0 : i32
    %dma_start3A_46 = tpu.memref_slice %arg5[%dma_start3A_44, %dma_start3A_45] : memref<80x128xi32, #tpu.memory_space<vmem>> -> memref<1x128xi32, #tpu.memory_space<vmem>>
    %dma_start3A_47 = tpu.memref_squeeze %dma_start3A_46 : memref<1x128xi32, #tpu.memory_space<vmem>> -> memref<128xi32, #tpu.memory_space<vmem>>
    %dma_start3A_48 = arith.constant 0 : i32
    %dma_start3A_49 = arith.constant 0 : i32
    %dma_start3A_50 = tpu.memref_slice %arg3[%dma_start3A_48, %dma_start3A_49] : memref<10240x32xf32, #tpu.memory_space<hbm>> -> memref<10240x32xf32, #tpu.memory_space<hbm>>
    tpu.enqueue_indirect_dma source(%dma_start3A_50 : memref<10240x32xf32, #tpu.memory_space<hbm>>) target(%arg12 : memref<128x32xf32, #tpu.memory_space<vmem>>) offsets(%dma_start3A_47 : memref<128xi32, #tpu.memory_space<vmem>>) semaphore(%arg22 : memref<!tpu.dma_semaphore, #tpu.memory_space<semaphore_mem>>)
    %dma_start3A_51 = arith.constant 6 : i32
    %dma_start3A_52 = arith.constant 0 : i32
    %dma_start3A_53 = tpu.memref_slice %arg5[%dma_start3A_51, %dma_start3A_52] : memref<80x128xi32, #tpu.memory_space<vmem>> -> memref<1x128xi32, #tpu.memory_space<vmem>>
    %dma_start3A_54 = tpu.memref_squeeze %dma_start3A_53 : memref<1x128xi32, #tpu.memory_space<vmem>> -> memref<128xi32, #tpu.memory_space<vmem>>
    %dma_start3A_55 = arith.constant 0 : i32
    %dma_start3A_56 = arith.constant 0 : i32
    %dma_start3A_57 = tpu.memref_slice %arg3[%dma_start3A_55, %dma_start3A_56] : memref<10240x32xf32, #tpu.memory_space<hbm>> -> memref<10240x32xf32, #tpu.memory_space<hbm>>
    tpu.enqueue_indirect_dma source(%dma_start3A_57 : memref<10240x32xf32, #tpu.memory_space<hbm>>) target(%arg13 : memref<128x32xf32, #tpu.memory_space<vmem>>) offsets(%dma_start3A_54 : memref<128xi32, #tpu.memory_space<vmem>>) semaphore(%arg23 : memref<!tpu.dma_semaphore, #tpu.memory_space<semaphore_mem>>)
    %scan3A_58 = arith.constant 0 : i32
    %scan3A_59 = arith.constant 0 : i32
    %scan3A_60 = arith.constant 10 : i32
    %scan3A_61 = arith.addi %scan3A_59, %scan3A_60 : i32
    %scan3A_62 = arith.constant 1 : i32
    %scan3A_63 = scf.for %scan3A_125 = %scan3A_59 to %scan3A_61 step %scan3A_62 iter_args(%scan3A_126 = %scan3A_58) -> (i32)  : i32 {
      %mul3A_127 = arith.constant 8 : i32
      %mul3A_128 = arith.muli %scan3A_125, %mul3A_127 : i32
      %add3A_129 = arith.constant 0 : i32
      %add3A_130 = arith.addi %mul3A_128, %add3A_129 : i32
      %add3A_131 = arith.constant 8 : i32
      %add3A_132 = arith.addi %add3A_130, %add3A_131 : i32
      %sub3A = arith.constant 1 : i32
      %sub3A_133 = arith.subi %add3A_132, %sub3A : i32
      %lt3A = arith.constant 80 : i32
      %lt3A_134 = arith.cmpi slt, %sub3A_133, %lt3A : i32
      %convert_element_type3A = arith.extui %lt3A_134 : i1 to i32
      %cond3A = arith.constant 0 : i32
      %cond3A_135 = arith.cmpi ne, %convert_element_type3A, %cond3A : i32
      scf.if %cond3A_135 {
        %ge3A = arith.constant 1 : i32
        %ge3A_310 = arith.cmpi sge, %add3A_130, %ge3A : i32
        %convert_element_type3A_311 = arith.extui %ge3A_310 : i1 to i32
        %cond3A_312 = arith.constant 0 : i32
        %cond3A_313 = arith.cmpi ne, %convert_element_type3A_311, %cond3A_312 : i32
        scf.if %cond3A_313 {
          %sub3A_320 = arith.constant 1 : i32
          %sub3A_321 = arith.subi %add3A_130, %sub3A_320 : i32
          %dma_wait3A_322 = arith.constant 0 : i32
          %dma_wait3A_323 = tpu.memref_slice %arg6[%sub3A_321, %dma_wait3A_322] : memref<80x128xi32, #tpu.memory_space<vmem>> -> memref<1x128xi32, #tpu.memory_space<vmem>>
          %dma_wait3A_324 = tpu.memref_squeeze %dma_wait3A_323 : memref<1x128xi32, #tpu.memory_space<vmem>> -> memref<128xi32, #tpu.memory_space<vmem>>
          %dma_wait3A_325 = arith.constant 0 : i32
          %dma_wait3A_326 = arith.constant 0 : i32
          %dma_wait3A_327 = tpu.memref_slice %arg16[%dma_wait3A_325, %dma_wait3A_326] : memref<10240x32xf32, #tpu.memory_space<vmem_shared>> -> memref<10240x32xf32, #tpu.memory_space<vmem_shared>>
          tpu.wait_indirect_dma semaphore(%arg32 : memref<!tpu.dma_semaphore, #tpu.memory_space<semaphore_mem>>) src(%arg14 : memref<128x32xf32, #tpu.memory_space<vmem>>) dst(%dma_wait3A_327 : memref<10240x32xf32, #tpu.memory_space<vmem_shared>>)
        } else {
        }
        %dma_start3A_314 = arith.constant 0 : i32
        %dma_start3A_315 = tpu.memref_slice %arg5[%sub3A_133, %dma_start3A_314] : memref<80x128xi32, #tpu.memory_space<vmem>> -> memref<1x128xi32, #tpu.memory_space<vmem>>
        %dma_start3A_316 = tpu.memref_squeeze %dma_start3A_315 : memref<1x128xi32, #tpu.memory_space<vmem>> -> memref<128xi32, #tpu.memory_space<vmem>>
        %dma_start3A_317 = arith.constant 0 : i32
        %dma_start3A_318 = arith.constant 0 : i32
        %dma_start3A_319 = tpu.memref_slice %arg3[%dma_start3A_317, %dma_start3A_318] : memref<10240x32xf32, #tpu.memory_space<hbm>> -> memref<10240x32xf32, #tpu.memory_space<hbm>>
        tpu.enqueue_indirect_dma source(%dma_start3A_319 : memref<10240x32xf32, #tpu.memory_space<hbm>>) target(%arg14 : memref<128x32xf32, #tpu.memory_space<vmem>>) offsets(%dma_start3A_316 : memref<128xi32, #tpu.memory_space<vmem>>) semaphore(%arg24 : memref<!tpu.dma_semaphore, #tpu.memory_space<semaphore_mem>>)
      } else {
      }
      %dma_wait3A_136 = arith.constant 0 : i32
      %dma_wait3A_137 = tpu.memref_slice %arg5[%add3A_130, %dma_wait3A_136] : memref<80x128xi32, #tpu.memory_space<vmem>> -> memref<1x128xi32, #tpu.memory_space<vmem>>
      %dma_wait3A_138 = tpu.memref_squeeze %dma_wait3A_137 : memref<1x128xi32, #tpu.memory_space<vmem>> -> memref<128xi32, #tpu.memory_space<vmem>>
      %dma_wait3A_139 = arith.constant 0 : i32
      %dma_wait3A_140 = arith.constant 0 : i32
      %dma_wait3A_141 = tpu.memref_slice %arg3[%dma_wait3A_139, %dma_wait3A_140] : memref<10240x32xf32, #tpu.memory_space<hbm>> -> memref<10240x32xf32, #tpu.memory_space<hbm>>
      tpu.wait_indirect_dma semaphore(%arg17 : memref<!tpu.dma_semaphore, #tpu.memory_space<semaphore_mem>>) src(%dma_wait3A_141 : memref<10240x32xf32, #tpu.memory_space<hbm>>) dst(%arg7 : memref<128x32xf32, #tpu.memory_space<vmem>>)
      %dma_start3A_142 = arith.constant 0 : i32
      %dma_start3A_143 = tpu.memref_slice %arg6[%add3A_130, %dma_start3A_142] : memref<80x128xi32, #tpu.memory_space<vmem>> -> memref<1x128xi32, #tpu.memory_space<vmem>>
      %dma_start3A_144 = tpu.memref_squeeze %dma_start3A_143 : memref<1x128xi32, #tpu.memory_space<vmem>> -> memref<128xi32, #tpu.memory_space<vmem>>
      %dma_start3A_145 = arith.constant 0 : i32
      %dma_start3A_146 = arith.constant 0 : i32
      %dma_start3A_147 = tpu.memref_slice %arg16[%dma_start3A_145, %dma_start3A_146] : memref<10240x32xf32, #tpu.memory_space<vmem_shared>> -> memref<10240x32xf32, #tpu.memory_space<vmem_shared>>
      tpu.enqueue_indirect_dma source(%arg7 : memref<128x32xf32, #tpu.memory_space<vmem>>) target(%dma_start3A_147 : memref<10240x32xf32, #tpu.memory_space<vmem_shared>>) offsets(%dma_start3A_144 : memref<128xi32, #tpu.memory_space<vmem>>) semaphore(%arg25 : memref<!tpu.dma_semaphore, #tpu.memory_space<semaphore_mem>>) {add = true}
      %add3A_148 = arith.constant 1 : i32
      %add3A_149 = arith.addi %mul3A_128, %add3A_148 : i32
      %add3A_150 = arith.constant 8 : i32
      %add3A_151 = arith.addi %add3A_149, %add3A_150 : i32
      %sub3A_152 = arith.constant 1 : i32
      %sub3A_153 = arith.subi %add3A_151, %sub3A_152 : i32
      %lt3A_154 = arith.constant 80 : i32
      %lt3A_155 = arith.cmpi slt, %sub3A_153, %lt3A_154 : i32
      %convert_element_type3A_156 = arith.extui %lt3A_155 : i1 to i32
      %cond3A_157 = arith.constant 0 : i32
      %cond3A_158 = arith.cmpi ne, %convert_element_type3A_156, %cond3A_157 : i32
      scf.if %cond3A_158 {
        %ge3A = arith.constant 1 : i32
        %ge3A_310 = arith.cmpi sge, %add3A_149, %ge3A : i32
        %convert_element_type3A_311 = arith.extui %ge3A_310 : i1 to i32
        %cond3A_312 = arith.constant 0 : i32
        %cond3A_313 = arith.cmpi ne, %convert_element_type3A_311, %cond3A_312 : i32
        scf.if %cond3A_313 {
          %sub3A_320 = arith.constant 1 : i32
          %sub3A_321 = arith.subi %add3A_149, %sub3A_320 : i32
          %dma_wait3A_322 = arith.constant 0 : i32
          %dma_wait3A_323 = tpu.memref_slice %arg6[%sub3A_321, %dma_wait3A_322] : memref<80x128xi32, #tpu.memory_space<vmem>> -> memref<1x128xi32, #tpu.memory_space<vmem>>
          %dma_wait3A_324 = tpu.memref_squeeze %dma_wait3A_323 : memref<1x128xi32, #tpu.memory_space<vmem>> -> memref<128xi32, #tpu.memory_space<vmem>>
          %dma_wait3A_325 = arith.constant 0 : i32
          %dma_wait3A_326 = arith.constant 0 : i32
          %dma_wait3A_327 = tpu.memref_slice %arg16[%dma_wait3A_325, %dma_wait3A_326] : memref<10240x32xf32, #tpu.memory_space<vmem_shared>> -> memref<10240x32xf32, #tpu.memory_space<vmem_shared>>
          tpu.wait_indirect_dma semaphore(%arg25 : memref<!tpu.dma_semaphore, #tpu.memory_space<semaphore_mem>>) src(%arg7 : memref<128x32xf32, #tpu.memory_space<vmem>>) dst(%dma_wait3A_327 : memref<10240x32xf32, #tpu.memory_space<vmem_shared>>)
        } else {
        }
        %dma_start3A_314 = arith.constant 0 : i32
        %dma_start3A_315 = tpu.memref_slice %arg5[%sub3A_153, %dma_start3A_314] : memref<80x128xi32, #tpu.memory_space<vmem>> -> memref<1x128xi32, #tpu.memory_space<vmem>>
        %dma_start3A_316 = tpu.memref_squeeze %dma_start3A_315 : memref<1x128xi32, #tpu.memory_space<vmem>> -> memref<128xi32, #tpu.memory_space<vmem>>
        %dma_start3A_317 = arith.constant 0 : i32
        %dma_start3A_318 = arith.constant 0 : i32
        %dma_start3A_319 = tpu.memref_slice %arg3[%dma_start3A_317, %dma_start3A_318] : memref<10240x32xf32, #tpu.memory_space<hbm>> -> memref<10240x32xf32, #tpu.memory_space<hbm>>
        tpu.enqueue_indirect_dma source(%dma_start3A_319 : memref<10240x32xf32, #tpu.memory_space<hbm>>) target(%arg7 : memref<128x32xf32, #tpu.memory_space<vmem>>) offsets(%dma_start3A_316 : memref<128xi32, #tpu.memory_space<vmem>>) semaphore(%arg17 : memref<!tpu.dma_semaphore, #tpu.memory_space<semaphore_mem>>)
      } else {
      }
      %dma_wait3A_159 = arith.constant 0 : i32
      %dma_wait3A_160 = tpu.memref_slice %arg5[%add3A_149, %dma_wait3A_159] : memref<80x128xi32, #tpu.memory_space<vmem>> -> memref<1x128xi32, #tpu.memory_space<vmem>>
      %dma_wait3A_161 = tpu.memref_squeeze %dma_wait3A_160 : memref<1x128xi32, #tpu.memory_space<vmem>> -> memref<128xi32, #tpu.memory_space<vmem>>
      %dma_wait3A_162 = arith.constant 0 : i32
      %dma_wait3A_163 = arith.constant 0 : i32
      %dma_wait3A_164 = tpu.memref_slice %arg3[%dma_wait3A_162, %dma_wait3A_163] : memref<10240x32xf32, #tpu.memory_space<hbm>> -> memref<10240x32xf32, #tpu.memory_space<hbm>>
      tpu.wait_indirect_dma semaphore(%arg18 : memref<!tpu.dma_semaphore, #tpu.memory_space<semaphore_mem>>) src(%dma_wait3A_164 : memref<10240x32xf32, #tpu.memory_space<hbm>>) dst(%arg8 : memref<128x32xf32, #tpu.memory_space<vmem>>)
      %dma_start3A_165 = arith.constant 0 : i32
      %dma_start3A_166 = tpu.memref_slice %arg6[%add3A_149, %dma_start3A_165] : memref<80x128xi32, #tpu.memory_space<vmem>> -> memref<1x128xi32, #tpu.memory_space<vmem>>
      %dma_start3A_167 = tpu.memref_squeeze %dma_start3A_166 : memref<1x128xi32, #tpu.memory_space<vmem>> -> memref<128xi32, #tpu.memory_space<vmem>>
      %dma_start3A_168 = arith.constant 0 : i32
      %dma_start3A_169 = arith.constant 0 : i32
      %dma_start3A_170 = tpu.memref_slice %arg16[%dma_start3A_168, %dma_start3A_169] : memref<10240x32xf32, #tpu.memory_space<vmem_shared>> -> memref<10240x32xf32, #tpu.memory_space<vmem_shared>>
      tpu.enqueue_indirect_dma source(%arg8 : memref<128x32xf32, #tpu.memory_space<vmem>>) target(%dma_start3A_170 : memref<10240x32xf32, #tpu.memory_space<vmem_shared>>) offsets(%dma_start3A_167 : memref<128xi32, #tpu.memory_space<vmem>>) semaphore(%arg26 : memref<!tpu.dma_semaphore, #tpu.memory_space<semaphore_mem>>) {add = true}
      %add3A_171 = arith.constant 2 : i32
      %add3A_172 = arith.addi %mul3A_128, %add3A_171 : i32
      %add3A_173 = arith.constant 8 : i32
      %add3A_174 = arith.addi %add3A_172, %add3A_173 : i32
      %sub3A_175 = arith.constant 1 : i32
      %sub3A_176 = arith.subi %add3A_174, %sub3A_175 : i32
      %lt3A_177 = arith.constant 80 : i32
      %lt3A_178 = arith.cmpi slt, %sub3A_176, %lt3A_177 : i32
      %convert_element_type3A_179 = arith.extui %lt3A_178 : i1 to i32
      %cond3A_180 = arith.constant 0 : i32
      %cond3A_181 = arith.cmpi ne, %convert_element_type3A_179, %cond3A_180 : i32
      scf.if %cond3A_181 {
        %ge3A = arith.constant 1 : i32
        %ge3A_310 = arith.cmpi sge, %add3A_172, %ge3A : i32
        %convert_element_type3A_311 = arith.extui %ge3A_310 : i1 to i32
        %cond3A_312 = arith.constant 0 : i32
        %cond3A_313 = arith.cmpi ne, %convert_element_type3A_311, %cond3A_312 : i32
        scf.if %cond3A_313 {
          %sub3A_320 = arith.constant 1 : i32
          %sub3A_321 = arith.subi %add3A_172, %sub3A_320 : i32
          %dma_wait3A_322 = arith.constant 0 : i32
          %dma_wait3A_323 = tpu.memref_slice %arg6[%sub3A_321, %dma_wait3A_322] : memref<80x128xi32, #tpu.memory_space<vmem>> -> memref<1x128xi32, #tpu.memory_space<vmem>>
          %dma_wait3A_324 = tpu.memref_squeeze %dma_wait3A_323 : memref<1x128xi32, #tpu.memory_space<vmem>> -> memref<128xi32, #tpu.memory_space<vmem>>
          %dma_wait3A_325 = arith.constant 0 : i32
          %dma_wait3A_326 = arith.constant 0 : i32
          %dma_wait3A_327 = tpu.memref_slice %arg16[%dma_wait3A_325, %dma_wait3A_326] : memref<10240x32xf32, #tpu.memory_space<vmem_shared>> -> memref<10240x32xf32, #tpu.memory_space<vmem_shared>>
          tpu.wait_indirect_dma semaphore(%arg26 : memref<!tpu.dma_semaphore, #tpu.memory_space<semaphore_mem>>) src(%arg8 : memref<128x32xf32, #tpu.memory_space<vmem>>) dst(%dma_wait3A_327 : memref<10240x32xf32, #tpu.memory_space<vmem_shared>>)
        } else {
        }
        %dma_start3A_314 = arith.constant 0 : i32
        %dma_start3A_315 = tpu.memref_slice %arg5[%sub3A_176, %dma_start3A_314] : memref<80x128xi32, #tpu.memory_space<vmem>> -> memref<1x128xi32, #tpu.memory_space<vmem>>
        %dma_start3A_316 = tpu.memref_squeeze %dma_start3A_315 : memref<1x128xi32, #tpu.memory_space<vmem>> -> memref<128xi32, #tpu.memory_space<vmem>>
        %dma_start3A_317 = arith.constant 0 : i32
        %dma_start3A_318 = arith.constant 0 : i32
        %dma_start3A_319 = tpu.memref_slice %arg3[%dma_start3A_317, %dma_start3A_318] : memref<10240x32xf32, #tpu.memory_space<hbm>> -> memref<10240x32xf32, #tpu.memory_space<hbm>>
        tpu.enqueue_indirect_dma source(%dma_start3A_319 : memref<10240x32xf32, #tpu.memory_space<hbm>>) target(%arg8 : memref<128x32xf32, #tpu.memory_space<vmem>>) offsets(%dma_start3A_316 : memref<128xi32, #tpu.memory_space<vmem>>) semaphore(%arg18 : memref<!tpu.dma_semaphore, #tpu.memory_space<semaphore_mem>>)
      } else {
      }
      %dma_wait3A_182 = arith.constant 0 : i32
      %dma_wait3A_183 = tpu.memref_slice %arg5[%add3A_172, %dma_wait3A_182] : memref<80x128xi32, #tpu.memory_space<vmem>> -> memref<1x128xi32, #tpu.memory_space<vmem>>
      %dma_wait3A_184 = tpu.memref_squeeze %dma_wait3A_183 : memref<1x128xi32, #tpu.memory_space<vmem>> -> memref<128xi32, #tpu.memory_space<vmem>>
      %dma_wait3A_185 = arith.constant 0 : i32
      %dma_wait3A_186 = arith.constant 0 : i32
      %dma_wait3A_187 = tpu.memref_slice %arg3[%dma_wait3A_185, %dma_wait3A_186] : memref<10240x32xf32, #tpu.memory_space<hbm>> -> memref<10240x32xf32, #tpu.memory_space<hbm>>
      tpu.wait_indirect_dma semaphore(%arg19 : memref<!tpu.dma_semaphore, #tpu.memory_space<semaphore_mem>>) src(%dma_wait3A_187 : memref<10240x32xf32, #tpu.memory_space<hbm>>) dst(%arg9 : memref<128x32xf32, #tpu.memory_space<vmem>>)
      %dma_start3A_188 = arith.constant 0 : i32
      %dma_start3A_189 = tpu.memref_slice %arg6[%add3A_172, %dma_start3A_188] : memref<80x128xi32, #tpu.memory_space<vmem>> -> memref<1x128xi32, #tpu.memory_space<vmem>>
      %dma_start3A_190 = tpu.memref_squeeze %dma_start3A_189 : memref<1x128xi32, #tpu.memory_space<vmem>> -> memref<128xi32, #tpu.memory_space<vmem>>
      %dma_start3A_191 = arith.constant 0 : i32
      %dma_start3A_192 = arith.constant 0 : i32
      %dma_start3A_193 = tpu.memref_slice %arg16[%dma_start3A_191, %dma_start3A_192] : memref<10240x32xf32, #tpu.memory_space<vmem_shared>> -> memref<10240x32xf32, #tpu.memory_space<vmem_shared>>
      tpu.enqueue_indirect_dma source(%arg9 : memref<128x32xf32, #tpu.memory_space<vmem>>) target(%dma_start3A_193 : memref<10240x32xf32, #tpu.memory_space<vmem_shared>>) offsets(%dma_start3A_190 : memref<128xi32, #tpu.memory_space<vmem>>) semaphore(%arg27 : memref<!tpu.dma_semaphore, #tpu.memory_space<semaphore_mem>>) {add = true}
      %add3A_194 = arith.constant 3 : i32
      %add3A_195 = arith.addi %mul3A_128, %add3A_194 : i32
      %add3A_196 = arith.constant 8 : i32
      %add3A_197 = arith.addi %add3A_195, %add3A_196 : i32
      %sub3A_198 = arith.constant 1 : i32
      %sub3A_199 = arith.subi %add3A_197, %sub3A_198 : i32
      %lt3A_200 = arith.constant 80 : i32
      %lt3A_201 = arith.cmpi slt, %sub3A_199, %lt3A_200 : i32
      %convert_element_type3A_202 = arith.extui %lt3A_201 : i1 to i32
      %cond3A_203 = arith.constant 0 : i32
      %cond3A_204 = arith.cmpi ne, %convert_element_type3A_202, %cond3A_203 : i32
      scf.if %cond3A_204 {
        %ge3A = arith.constant 1 : i32
        %ge3A_310 = arith.cmpi sge, %add3A_195, %ge3A : i32
        %convert_element_type3A_311 = arith.extui %ge3A_310 : i1 to i32
        %cond3A_312 = arith.constant 0 : i32
        %cond3A_313 = arith.cmpi ne, %convert_element_type3A_311, %cond3A_312 : i32
        scf.if %cond3A_313 {
          %sub3A_320 = arith.constant 1 : i32
          %sub3A_321 = arith.subi %add3A_195, %sub3A_320 : i32
          %dma_wait3A_322 = arith.constant 0 : i32
          %dma_wait3A_323 = tpu.memref_slice %arg6[%sub3A_321, %dma_wait3A_322] : memref<80x128xi32, #tpu.memory_space<vmem>> -> memref<1x128xi32, #tpu.memory_space<vmem>>
          %dma_wait3A_324 = tpu.memref_squeeze %dma_wait3A_323 : memref<1x128xi32, #tpu.memory_space<vmem>> -> memref<128xi32, #tpu.memory_space<vmem>>
          %dma_wait3A_325 = arith.constant 0 : i32
          %dma_wait3A_326 = arith.constant 0 : i32
          %dma_wait3A_327 = tpu.memref_slice %arg16[%dma_wait3A_325, %dma_wait3A_326] : memref<10240x32xf32, #tpu.memory_space<vmem_shared>> -> memref<10240x32xf32, #tpu.memory_space<vmem_shared>>
          tpu.wait_indirect_dma semaphore(%arg27 : memref<!tpu.dma_semaphore, #tpu.memory_space<semaphore_mem>>) src(%arg9 : memref<128x32xf32, #tpu.memory_space<vmem>>) dst(%dma_wait3A_327 : memref<10240x32xf32, #tpu.memory_space<vmem_shared>>)
        } else {
        }
        %dma_start3A_314 = arith.constant 0 : i32
        %dma_start3A_315 = tpu.memref_slice %arg5[%sub3A_199, %dma_start3A_314] : memref<80x128xi32, #tpu.memory_space<vmem>> -> memref<1x128xi32, #tpu.memory_space<vmem>>
        %dma_start3A_316 = tpu.memref_squeeze %dma_start3A_315 : memref<1x128xi32, #tpu.memory_space<vmem>> -> memref<128xi32, #tpu.memory_space<vmem>>
        %dma_start3A_317 = arith.constant 0 : i32
        %dma_start3A_318 = arith.constant 0 : i32
        %dma_start3A_319 = tpu.memref_slice %arg3[%dma_start3A_317, %dma_start3A_318] : memref<10240x32xf32, #tpu.memory_space<hbm>> -> memref<10240x32xf32, #tpu.memory_space<hbm>>
        tpu.enqueue_indirect_dma source(%dma_start3A_319 : memref<10240x32xf32, #tpu.memory_space<hbm>>) target(%arg9 : memref<128x32xf32, #tpu.memory_space<vmem>>) offsets(%dma_start3A_316 : memref<128xi32, #tpu.memory_space<vmem>>) semaphore(%arg19 : memref<!tpu.dma_semaphore, #tpu.memory_space<semaphore_mem>>)
      } else {
      }
      %dma_wait3A_205 = arith.constant 0 : i32
      %dma_wait3A_206 = tpu.memref_slice %arg5[%add3A_195, %dma_wait3A_205] : memref<80x128xi32, #tpu.memory_space<vmem>> -> memref<1x128xi32, #tpu.memory_space<vmem>>
      %dma_wait3A_207 = tpu.memref_squeeze %dma_wait3A_206 : memref<1x128xi32, #tpu.memory_space<vmem>> -> memref<128xi32, #tpu.memory_space<vmem>>
      %dma_wait3A_208 = arith.constant 0 : i32
      %dma_wait3A_209 = arith.constant 0 : i32
      %dma_wait3A_210 = tpu.memref_slice %arg3[%dma_wait3A_208, %dma_wait3A_209] : memref<10240x32xf32, #tpu.memory_space<hbm>> -> memref<10240x32xf32, #tpu.memory_space<hbm>>
      tpu.wait_indirect_dma semaphore(%arg20 : memref<!tpu.dma_semaphore, #tpu.memory_space<semaphore_mem>>) src(%dma_wait3A_210 : memref<10240x32xf32, #tpu.memory_space<hbm>>) dst(%arg10 : memref<128x32xf32, #tpu.memory_space<vmem>>)
      %dma_start3A_211 = arith.constant 0 : i32
      %dma_start3A_212 = tpu.memref_slice %arg6[%add3A_195, %dma_start3A_211] : memref<80x128xi32, #tpu.memory_space<vmem>> -> memref<1x128xi32, #tpu.memory_space<vmem>>
      %dma_start3A_213 = tpu.memref_squeeze %dma_start3A_212 : memref<1x128xi32, #tpu.memory_space<vmem>> -> memref<128xi32, #tpu.memory_space<vmem>>
      %dma_start3A_214 = arith.constant 0 : i32
      %dma_start3A_215 = arith.constant 0 : i32
      %dma_start3A_216 = tpu.memref_slice %arg16[%dma_start3A_214, %dma_start3A_215] : memref<10240x32xf32, #tpu.memory_space<vmem_shared>> -> memref<10240x32xf32, #tpu.memory_space<vmem_shared>>
      tpu.enqueue_indirect_dma source(%arg10 : memref<128x32xf32, #tpu.memory_space<vmem>>) target(%dma_start3A_216 : memref<10240x32xf32, #tpu.memory_space<vmem_shared>>) offsets(%dma_start3A_213 : memref<128xi32, #tpu.memory_space<vmem>>) semaphore(%arg28 : memref<!tpu.dma_semaphore, #tpu.memory_space<semaphore_mem>>) {add = true}
      %add3A_217 = arith.constant 4 : i32
      %add3A_218 = arith.addi %mul3A_128, %add3A_217 : i32
      %add3A_219 = arith.constant 8 : i32
      %add3A_220 = arith.addi %add3A_218, %add3A_219 : i32
      %sub3A_221 = arith.constant 1 : i32
      %sub3A_222 = arith.subi %add3A_220, %sub3A_221 : i32
      %lt3A_223 = arith.constant 80 : i32
      %lt3A_224 = arith.cmpi slt, %sub3A_222, %lt3A_223 : i32
      %convert_element_type3A_225 = arith.extui %lt3A_224 : i1 to i32
      %cond3A_226 = arith.constant 0 : i32
      %cond3A_227 = arith.cmpi ne, %convert_element_type3A_225, %cond3A_226 : i32
      scf.if %cond3A_227 {
        %ge3A = arith.constant 1 : i32
        %ge3A_310 = arith.cmpi sge, %add3A_218, %ge3A : i32
        %convert_element_type3A_311 = arith.extui %ge3A_310 : i1 to i32
        %cond3A_312 = arith.constant 0 : i32
        %cond3A_313 = arith.cmpi ne, %convert_element_type3A_311, %cond3A_312 : i32
        scf.if %cond3A_313 {
          %sub3A_320 = arith.constant 1 : i32
          %sub3A_321 = arith.subi %add3A_218, %sub3A_320 : i32
          %dma_wait3A_322 = arith.constant 0 : i32
          %dma_wait3A_323 = tpu.memref_slice %arg6[%sub3A_321, %dma_wait3A_322] : memref<80x128xi32, #tpu.memory_space<vmem>> -> memref<1x128xi32, #tpu.memory_space<vmem>>
          %dma_wait3A_324 = tpu.memref_squeeze %dma_wait3A_323 : memref<1x128xi32, #tpu.memory_space<vmem>> -> memref<128xi32, #tpu.memory_space<vmem>>
          %dma_wait3A_325 = arith.constant 0 : i32
          %dma_wait3A_326 = arith.constant 0 : i32
          %dma_wait3A_327 = tpu.memref_slice %arg16[%dma_wait3A_325, %dma_wait3A_326] : memref<10240x32xf32, #tpu.memory_space<vmem_shared>> -> memref<10240x32xf32, #tpu.memory_space<vmem_shared>>
          tpu.wait_indirect_dma semaphore(%arg28 : memref<!tpu.dma_semaphore, #tpu.memory_space<semaphore_mem>>) src(%arg10 : memref<128x32xf32, #tpu.memory_space<vmem>>) dst(%dma_wait3A_327 : memref<10240x32xf32, #tpu.memory_space<vmem_shared>>)
        } else {
        }
        %dma_start3A_314 = arith.constant 0 : i32
        %dma_start3A_315 = tpu.memref_slice %arg5[%sub3A_222, %dma_start3A_314] : memref<80x128xi32, #tpu.memory_space<vmem>> -> memref<1x128xi32, #tpu.memory_space<vmem>>
        %dma_start3A_316 = tpu.memref_squeeze %dma_start3A_315 : memref<1x128xi32, #tpu.memory_space<vmem>> -> memref<128xi32, #tpu.memory_space<vmem>>
        %dma_start3A_317 = arith.constant 0 : i32
        %dma_start3A_318 = arith.constant 0 : i32
        %dma_start3A_319 = tpu.memref_slice %arg3[%dma_start3A_317, %dma_start3A_318] : memref<10240x32xf32, #tpu.memory_space<hbm>> -> memref<10240x32xf32, #tpu.memory_space<hbm>>
        tpu.enqueue_indirect_dma source(%dma_start3A_319 : memref<10240x32xf32, #tpu.memory_space<hbm>>) target(%arg10 : memref<128x32xf32, #tpu.memory_space<vmem>>) offsets(%dma_start3A_316 : memref<128xi32, #tpu.memory_space<vmem>>) semaphore(%arg20 : memref<!tpu.dma_semaphore, #tpu.memory_space<semaphore_mem>>)
      } else {
      }
      %dma_wait3A_228 = arith.constant 0 : i32
      %dma_wait3A_229 = tpu.memref_slice %arg5[%add3A_218, %dma_wait3A_228] : memref<80x128xi32, #tpu.memory_space<vmem>> -> memref<1x128xi32, #tpu.memory_space<vmem>>
      %dma_wait3A_230 = tpu.memref_squeeze %dma_wait3A_229 : memref<1x128xi32, #tpu.memory_space<vmem>> -> memref<128xi32, #tpu.memory_space<vmem>>
      %dma_wait3A_231 = arith.constant 0 : i32
      %dma_wait3A_232 = arith.constant 0 : i32
      %dma_wait3A_233 = tpu.memref_slice %arg3[%dma_wait3A_231, %dma_wait3A_232] : memref<10240x32xf32, #tpu.memory_space<hbm>> -> memref<10240x32xf32, #tpu.memory_space<hbm>>
      tpu.wait_indirect_dma semaphore(%arg21 : memref<!tpu.dma_semaphore, #tpu.memory_space<semaphore_mem>>) src(%dma_wait3A_233 : memref<10240x32xf32, #tpu.memory_space<hbm>>) dst(%arg11 : memref<128x32xf32, #tpu.memory_space<vmem>>)
      %dma_start3A_234 = arith.constant 0 : i32
      %dma_start3A_235 = tpu.memref_slice %arg6[%add3A_218, %dma_start3A_234] : memref<80x128xi32, #tpu.memory_space<vmem>> -> memref<1x128xi32, #tpu.memory_space<vmem>>
      %dma_start3A_236 = tpu.memref_squeeze %dma_start3A_235 : memref<1x128xi32, #tpu.memory_space<vmem>> -> memref<128xi32, #tpu.memory_space<vmem>>
      %dma_start3A_237 = arith.constant 0 : i32
      %dma_start3A_238 = arith.constant 0 : i32
      %dma_start3A_239 = tpu.memref_slice %arg16[%dma_start3A_237, %dma_start3A_238] : memref<10240x32xf32, #tpu.memory_space<vmem_shared>> -> memref<10240x32xf32, #tpu.memory_space<vmem_shared>>
      tpu.enqueue_indirect_dma source(%arg11 : memref<128x32xf32, #tpu.memory_space<vmem>>) target(%dma_start3A_239 : memref<10240x32xf32, #tpu.memory_space<vmem_shared>>) offsets(%dma_start3A_236 : memref<128xi32, #tpu.memory_space<vmem>>) semaphore(%arg29 : memref<!tpu.dma_semaphore, #tpu.memory_space<semaphore_mem>>) {add = true}
      %add3A_240 = arith.constant 5 : i32
      %add3A_241 = arith.addi %mul3A_128, %add3A_240 : i32
      %add3A_242 = arith.constant 8 : i32
      %add3A_243 = arith.addi %add3A_241, %add3A_242 : i32
      %sub3A_244 = arith.constant 1 : i32
      %sub3A_245 = arith.subi %add3A_243, %sub3A_244 : i32
      %lt3A_246 = arith.constant 80 : i32
      %lt3A_247 = arith.cmpi slt, %sub3A_245, %lt3A_246 : i32
      %convert_element_type3A_248 = arith.extui %lt3A_247 : i1 to i32
      %cond3A_249 = arith.constant 0 : i32
      %cond3A_250 = arith.cmpi ne, %convert_element_type3A_248, %cond3A_249 : i32
      scf.if %cond3A_250 {
        %ge3A = arith.constant 1 : i32
        %ge3A_310 = arith.cmpi sge, %add3A_241, %ge3A : i32
        %convert_element_type3A_311 = arith.extui %ge3A_310 : i1 to i32
        %cond3A_312 = arith.constant 0 : i32
        %cond3A_313 = arith.cmpi ne, %convert_element_type3A_311, %cond3A_312 : i32
        scf.if %cond3A_313 {
          %sub3A_320 = arith.constant 1 : i32
          %sub3A_321 = arith.subi %add3A_241, %sub3A_320 : i32
          %dma_wait3A_322 = arith.constant 0 : i32
          %dma_wait3A_323 = tpu.memref_slice %arg6[%sub3A_321, %dma_wait3A_322] : memref<80x128xi32, #tpu.memory_space<vmem>> -> memref<1x128xi32, #tpu.memory_space<vmem>>
          %dma_wait3A_324 = tpu.memref_squeeze %dma_wait3A_323 : memref<1x128xi32, #tpu.memory_space<vmem>> -> memref<128xi32, #tpu.memory_space<vmem>>
          %dma_wait3A_325 = arith.constant 0 : i32
          %dma_wait3A_326 = arith.constant 0 : i32
          %dma_wait3A_327 = tpu.memref_slice %arg16[%dma_wait3A_325, %dma_wait3A_326] : memref<10240x32xf32, #tpu.memory_space<vmem_shared>> -> memref<10240x32xf32, #tpu.memory_space<vmem_shared>>
          tpu.wait_indirect_dma semaphore(%arg29 : memref<!tpu.dma_semaphore, #tpu.memory_space<semaphore_mem>>) src(%arg11 : memref<128x32xf32, #tpu.memory_space<vmem>>) dst(%dma_wait3A_327 : memref<10240x32xf32, #tpu.memory_space<vmem_shared>>)
        } else {
        }
        %dma_start3A_314 = arith.constant 0 : i32
        %dma_start3A_315 = tpu.memref_slice %arg5[%sub3A_245, %dma_start3A_314] : memref<80x128xi32, #tpu.memory_space<vmem>> -> memref<1x128xi32, #tpu.memory_space<vmem>>
        %dma_start3A_316 = tpu.memref_squeeze %dma_start3A_315 : memref<1x128xi32, #tpu.memory_space<vmem>> -> memref<128xi32, #tpu.memory_space<vmem>>
        %dma_start3A_317 = arith.constant 0 : i32
        %dma_start3A_318 = arith.constant 0 : i32
        %dma_start3A_319 = tpu.memref_slice %arg3[%dma_start3A_317, %dma_start3A_318] : memref<10240x32xf32, #tpu.memory_space<hbm>> -> memref<10240x32xf32, #tpu.memory_space<hbm>>
        tpu.enqueue_indirect_dma source(%dma_start3A_319 : memref<10240x32xf32, #tpu.memory_space<hbm>>) target(%arg11 : memref<128x32xf32, #tpu.memory_space<vmem>>) offsets(%dma_start3A_316 : memref<128xi32, #tpu.memory_space<vmem>>) semaphore(%arg21 : memref<!tpu.dma_semaphore, #tpu.memory_space<semaphore_mem>>)
      } else {
      }
      %dma_wait3A_251 = arith.constant 0 : i32
      %dma_wait3A_252 = tpu.memref_slice %arg5[%add3A_241, %dma_wait3A_251] : memref<80x128xi32, #tpu.memory_space<vmem>> -> memref<1x128xi32, #tpu.memory_space<vmem>>
      %dma_wait3A_253 = tpu.memref_squeeze %dma_wait3A_252 : memref<1x128xi32, #tpu.memory_space<vmem>> -> memref<128xi32, #tpu.memory_space<vmem>>
      %dma_wait3A_254 = arith.constant 0 : i32
      %dma_wait3A_255 = arith.constant 0 : i32
      %dma_wait3A_256 = tpu.memref_slice %arg3[%dma_wait3A_254, %dma_wait3A_255] : memref<10240x32xf32, #tpu.memory_space<hbm>> -> memref<10240x32xf32, #tpu.memory_space<hbm>>
      tpu.wait_indirect_dma semaphore(%arg22 : memref<!tpu.dma_semaphore, #tpu.memory_space<semaphore_mem>>) src(%dma_wait3A_256 : memref<10240x32xf32, #tpu.memory_space<hbm>>) dst(%arg12 : memref<128x32xf32, #tpu.memory_space<vmem>>)
      %dma_start3A_257 = arith.constant 0 : i32
      %dma_start3A_258 = tpu.memref_slice %arg6[%add3A_241, %dma_start3A_257] : memref<80x128xi32, #tpu.memory_space<vmem>> -> memref<1x128xi32, #tpu.memory_space<vmem>>
      %dma_start3A_259 = tpu.memref_squeeze %dma_start3A_258 : memref<1x128xi32, #tpu.memory_space<vmem>> -> memref<128xi32, #tpu.memory_space<vmem>>
      %dma_start3A_260 = arith.constant 0 : i32
      %dma_start3A_261 = arith.constant 0 : i32
      %dma_start3A_262 = tpu.memref_slice %arg16[%dma_start3A_260, %dma_start3A_261] : memref<10240x32xf32, #tpu.memory_space<vmem_shared>> -> memref<10240x32xf32, #tpu.memory_space<vmem_shared>>
      tpu.enqueue_indirect_dma source(%arg12 : memref<128x32xf32, #tpu.memory_space<vmem>>) target(%dma_start3A_262 : memref<10240x32xf32, #tpu.memory_space<vmem_shared>>) offsets(%dma_start3A_259 : memref<128xi32, #tpu.memory_space<vmem>>) semaphore(%arg30 : memref<!tpu.dma_semaphore, #tpu.memory_space<semaphore_mem>>) {add = true}
      %add3A_263 = arith.constant 6 : i32
      %add3A_264 = arith.addi %mul3A_128, %add3A_263 : i32
      %add3A_265 = arith.constant 8 : i32
      %add3A_266 = arith.addi %add3A_264, %add3A_265 : i32
      %sub3A_267 = arith.constant 1 : i32
      %sub3A_268 = arith.subi %add3A_266, %sub3A_267 : i32
      %lt3A_269 = arith.constant 80 : i32
      %lt3A_270 = arith.cmpi slt, %sub3A_268, %lt3A_269 : i32
      %convert_element_type3A_271 = arith.extui %lt3A_270 : i1 to i32
      %cond3A_272 = arith.constant 0 : i32
      %cond3A_273 = arith.cmpi ne, %convert_element_type3A_271, %cond3A_272 : i32
      scf.if %cond3A_273 {
        %ge3A = arith.constant 1 : i32
        %ge3A_310 = arith.cmpi sge, %add3A_264, %ge3A : i32
        %convert_element_type3A_311 = arith.extui %ge3A_310 : i1 to i32
        %cond3A_312 = arith.constant 0 : i32
        %cond3A_313 = arith.cmpi ne, %convert_element_type3A_311, %cond3A_312 : i32
        scf.if %cond3A_313 {
          %sub3A_320 = arith.constant 1 : i32
          %sub3A_321 = arith.subi %add3A_264, %sub3A_320 : i32
          %dma_wait3A_322 = arith.constant 0 : i32
          %dma_wait3A_323 = tpu.memref_slice %arg6[%sub3A_321, %dma_wait3A_322] : memref<80x128xi32, #tpu.memory_space<vmem>> -> memref<1x128xi32, #tpu.memory_space<vmem>>
          %dma_wait3A_324 = tpu.memref_squeeze %dma_wait3A_323 : memref<1x128xi32, #tpu.memory_space<vmem>> -> memref<128xi32, #tpu.memory_space<vmem>>
          %dma_wait3A_325 = arith.constant 0 : i32
          %dma_wait3A_326 = arith.constant 0 : i32
          %dma_wait3A_327 = tpu.memref_slice %arg16[%dma_wait3A_325, %dma_wait3A_326] : memref<10240x32xf32, #tpu.memory_space<vmem_shared>> -> memref<10240x32xf32, #tpu.memory_space<vmem_shared>>
          tpu.wait_indirect_dma semaphore(%arg30 : memref<!tpu.dma_semaphore, #tpu.memory_space<semaphore_mem>>) src(%arg12 : memref<128x32xf32, #tpu.memory_space<vmem>>) dst(%dma_wait3A_327 : memref<10240x32xf32, #tpu.memory_space<vmem_shared>>)
        } else {
        }
        %dma_start3A_314 = arith.constant 0 : i32
        %dma_start3A_315 = tpu.memref_slice %arg5[%sub3A_268, %dma_start3A_314] : memref<80x128xi32, #tpu.memory_space<vmem>> -> memref<1x128xi32, #tpu.memory_space<vmem>>
        %dma_start3A_316 = tpu.memref_squeeze %dma_start3A_315 : memref<1x128xi32, #tpu.memory_space<vmem>> -> memref<128xi32, #tpu.memory_space<vmem>>
        %dma_start3A_317 = arith.constant 0 : i32
        %dma_start3A_318 = arith.constant 0 : i32
        %dma_start3A_319 = tpu.memref_slice %arg3[%dma_start3A_317, %dma_start3A_318] : memref<10240x32xf32, #tpu.memory_space<hbm>> -> memref<10240x32xf32, #tpu.memory_space<hbm>>
        tpu.enqueue_indirect_dma source(%dma_start3A_319 : memref<10240x32xf32, #tpu.memory_space<hbm>>) target(%arg12 : memref<128x32xf32, #tpu.memory_space<vmem>>) offsets(%dma_start3A_316 : memref<128xi32, #tpu.memory_space<vmem>>) semaphore(%arg22 : memref<!tpu.dma_semaphore, #tpu.memory_space<semaphore_mem>>)
      } else {
      }
      %dma_wait3A_274 = arith.constant 0 : i32
      %dma_wait3A_275 = tpu.memref_slice %arg5[%add3A_264, %dma_wait3A_274] : memref<80x128xi32, #tpu.memory_space<vmem>> -> memref<1x128xi32, #tpu.memory_space<vmem>>
      %dma_wait3A_276 = tpu.memref_squeeze %dma_wait3A_275 : memref<1x128xi32, #tpu.memory_space<vmem>> -> memref<128xi32, #tpu.memory_space<vmem>>
      %dma_wait3A_277 = arith.constant 0 : i32
      %dma_wait3A_278 = arith.constant 0 : i32
      %dma_wait3A_279 = tpu.memref_slice %arg3[%dma_wait3A_277, %dma_wait3A_278] : memref<10240x32xf32, #tpu.memory_space<hbm>> -> memref<10240x32xf32, #tpu.memory_space<hbm>>
      tpu.wait_indirect_dma semaphore(%arg23 : memref<!tpu.dma_semaphore, #tpu.memory_space<semaphore_mem>>) src(%dma_wait3A_279 : memref<10240x32xf32, #tpu.memory_space<hbm>>) dst(%arg13 : memref<128x32xf32, #tpu.memory_space<vmem>>)
      %dma_start3A_280 = arith.constant 0 : i32
      %dma_start3A_281 = tpu.memref_slice %arg6[%add3A_264, %dma_start3A_280] : memref<80x128xi32, #tpu.memory_space<vmem>> -> memref<1x128xi32, #tpu.memory_space<vmem>>
      %dma_start3A_282 = tpu.memref_squeeze %dma_start3A_281 : memref<1x128xi32, #tpu.memory_space<vmem>> -> memref<128xi32, #tpu.memory_space<vmem>>
      %dma_start3A_283 = arith.constant 0 : i32
      %dma_start3A_284 = arith.constant 0 : i32
      %dma_start3A_285 = tpu.memref_slice %arg16[%dma_start3A_283, %dma_start3A_284] : memref<10240x32xf32, #tpu.memory_space<vmem_shared>> -> memref<10240x32xf32, #tpu.memory_space<vmem_shared>>
      tpu.enqueue_indirect_dma source(%arg13 : memref<128x32xf32, #tpu.memory_space<vmem>>) target(%dma_start3A_285 : memref<10240x32xf32, #tpu.memory_space<vmem_shared>>) offsets(%dma_start3A_282 : memref<128xi32, #tpu.memory_space<vmem>>) semaphore(%arg31 : memref<!tpu.dma_semaphore, #tpu.memory_space<semaphore_mem>>) {add = true}
      %add3A_286 = arith.constant 7 : i32
      %add3A_287 = arith.addi %mul3A_128, %add3A_286 : i32
      %add3A_288 = arith.constant 8 : i32
      %add3A_289 = arith.addi %add3A_287, %add3A_288 : i32
      %sub3A_290 = arith.constant 1 : i32
      %sub3A_291 = arith.subi %add3A_289, %sub3A_290 : i32
      %lt3A_292 = arith.constant 80 : i32
      %lt3A_293 = arith.cmpi slt, %sub3A_291, %lt3A_292 : i32
      %convert_element_type3A_294 = arith.extui %lt3A_293 : i1 to i32
      %cond3A_295 = arith.constant 0 : i32
      %cond3A_296 = arith.cmpi ne, %convert_element_type3A_294, %cond3A_295 : i32
      scf.if %cond3A_296 {
        %ge3A = arith.constant 1 : i32
        %ge3A_310 = arith.cmpi sge, %add3A_287, %ge3A : i32
        %convert_element_type3A_311 = arith.extui %ge3A_310 : i1 to i32
        %cond3A_312 = arith.constant 0 : i32
        %cond3A_313 = arith.cmpi ne, %convert_element_type3A_311, %cond3A_312 : i32
        scf.if %cond3A_313 {
          %sub3A_320 = arith.constant 1 : i32
          %sub3A_321 = arith.subi %add3A_287, %sub3A_320 : i32
          %dma_wait3A_322 = arith.constant 0 : i32
          %dma_wait3A_323 = tpu.memref_slice %arg6[%sub3A_321, %dma_wait3A_322] : memref<80x128xi32, #tpu.memory_space<vmem>> -> memref<1x128xi32, #tpu.memory_space<vmem>>
          %dma_wait3A_324 = tpu.memref_squeeze %dma_wait3A_323 : memref<1x128xi32, #tpu.memory_space<vmem>> -> memref<128xi32, #tpu.memory_space<vmem>>
          %dma_wait3A_325 = arith.constant 0 : i32
          %dma_wait3A_326 = arith.constant 0 : i32
          %dma_wait3A_327 = tpu.memref_slice %arg16[%dma_wait3A_325, %dma_wait3A_326] : memref<10240x32xf32, #tpu.memory_space<vmem_shared>> -> memref<10240x32xf32, #tpu.memory_space<vmem_shared>>
          tpu.wait_indirect_dma semaphore(%arg31 : memref<!tpu.dma_semaphore, #tpu.memory_space<semaphore_mem>>) src(%arg13 : memref<128x32xf32, #tpu.memory_space<vmem>>) dst(%dma_wait3A_327 : memref<10240x32xf32, #tpu.memory_space<vmem_shared>>)
        } else {
        }
        %dma_start3A_314 = arith.constant 0 : i32
        %dma_start3A_315 = tpu.memref_slice %arg5[%sub3A_291, %dma_start3A_314] : memref<80x128xi32, #tpu.memory_space<vmem>> -> memref<1x128xi32, #tpu.memory_space<vmem>>
        %dma_start3A_316 = tpu.memref_squeeze %dma_start3A_315 : memref<1x128xi32, #tpu.memory_space<vmem>> -> memref<128xi32, #tpu.memory_space<vmem>>
        %dma_start3A_317 = arith.constant 0 : i32
        %dma_start3A_318 = arith.constant 0 : i32
        %dma_start3A_319 = tpu.memref_slice %arg3[%dma_start3A_317, %dma_start3A_318] : memref<10240x32xf32, #tpu.memory_space<hbm>> -> memref<10240x32xf32, #tpu.memory_space<hbm>>
        tpu.enqueue_indirect_dma source(%dma_start3A_319 : memref<10240x32xf32, #tpu.memory_space<hbm>>) target(%arg13 : memref<128x32xf32, #tpu.memory_space<vmem>>) offsets(%dma_start3A_316 : memref<128xi32, #tpu.memory_space<vmem>>) semaphore(%arg23 : memref<!tpu.dma_semaphore, #tpu.memory_space<semaphore_mem>>)
      } else {
      }
      %dma_wait3A_297 = arith.constant 0 : i32
      %dma_wait3A_298 = tpu.memref_slice %arg5[%add3A_287, %dma_wait3A_297] : memref<80x128xi32, #tpu.memory_space<vmem>> -> memref<1x128xi32, #tpu.memory_space<vmem>>
      %dma_wait3A_299 = tpu.memref_squeeze %dma_wait3A_298 : memref<1x128xi32, #tpu.memory_space<vmem>> -> memref<128xi32, #tpu.memory_space<vmem>>
      %dma_wait3A_300 = arith.constant 0 : i32
      %dma_wait3A_301 = arith.constant 0 : i32
      %dma_wait3A_302 = tpu.memref_slice %arg3[%dma_wait3A_300, %dma_wait3A_301] : memref<10240x32xf32, #tpu.memory_space<hbm>> -> memref<10240x32xf32, #tpu.memory_space<hbm>>
      tpu.wait_indirect_dma semaphore(%arg24 : memref<!tpu.dma_semaphore, #tpu.memory_space<semaphore_mem>>) src(%dma_wait3A_302 : memref<10240x32xf32, #tpu.memory_space<hbm>>) dst(%arg14 : memref<128x32xf32, #tpu.memory_space<vmem>>)
      %dma_start3A_303 = arith.constant 0 : i32
      %dma_start3A_304 = tpu.memref_slice %arg6[%add3A_287, %dma_start3A_303] : memref<80x128xi32, #tpu.memory_space<vmem>> -> memref<1x128xi32, #tpu.memory_space<vmem>>
      %dma_start3A_305 = tpu.memref_squeeze %dma_start3A_304 : memref<1x128xi32, #tpu.memory_space<vmem>> -> memref<128xi32, #tpu.memory_space<vmem>>
      %dma_start3A_306 = arith.constant 0 : i32
      %dma_start3A_307 = arith.constant 0 : i32
      %dma_start3A_308 = tpu.memref_slice %arg16[%dma_start3A_306, %dma_start3A_307] : memref<10240x32xf32, #tpu.memory_space<vmem_shared>> -> memref<10240x32xf32, #tpu.memory_space<vmem_shared>>
      tpu.enqueue_indirect_dma source(%arg14 : memref<128x32xf32, #tpu.memory_space<vmem>>) target(%dma_start3A_308 : memref<10240x32xf32, #tpu.memory_space<vmem_shared>>) offsets(%dma_start3A_305 : memref<128xi32, #tpu.memory_space<vmem>>) semaphore(%arg32 : memref<!tpu.dma_semaphore, #tpu.memory_space<semaphore_mem>>) {add = true}
      %scan3A_309 = arith.constant 0 : i32
      scf.yield %scan3A_309 : i32
    }
    %scan3A_64 = arith.constant 10 : i32
    %dma_wait3A = arith.constant 72 : i32
    %dma_wait3A_65 = arith.constant 0 : i32
    %dma_wait3A_66 = tpu.memref_slice %arg6[%dma_wait3A, %dma_wait3A_65] : memref<80x128xi32, #tpu.memory_space<vmem>> -> memref<1x128xi32, #tpu.memory_space<vmem>>
    %dma_wait3A_67 = tpu.memref_squeeze %dma_wait3A_66 : memref<1x128xi32, #tpu.memory_space<vmem>> -> memref<128xi32, #tpu.memory_space<vmem>>
    %dma_wait3A_68 = arith.constant 0 : i32
    %dma_wait3A_69 = arith.constant 0 : i32
    %dma_wait3A_70 = tpu.memref_slice %arg16[%dma_wait3A_68, %dma_wait3A_69] : memref<10240x32xf32, #tpu.memory_space<vmem_shared>> -> memref<10240x32xf32, #tpu.memory_space<vmem_shared>>
    tpu.wait_indirect_dma semaphore(%arg25 : memref<!tpu.dma_semaphore, #tpu.memory_space<semaphore_mem>>) src(%arg7 : memref<128x32xf32, #tpu.memory_space<vmem>>) dst(%dma_wait3A_70 : memref<10240x32xf32, #tpu.memory_space<vmem_shared>>)
    %dma_wait3A_71 = arith.constant 73 : i32
    %dma_wait3A_72 = arith.constant 0 : i32
    %dma_wait3A_73 = tpu.memref_slice %arg6[%dma_wait3A_71, %dma_wait3A_72] : memref<80x128xi32, #tpu.memory_space<vmem>> -> memref<1x128xi32, #tpu.memory_space<vmem>>
    %dma_wait3A_74 = tpu.memref_squeeze %dma_wait3A_73 : memref<1x128xi32, #tpu.memory_space<vmem>> -> memref<128xi32, #tpu.memory_space<vmem>>
    %dma_wait3A_75 = arith.constant 0 : i32
    %dma_wait3A_76 = arith.constant 0 : i32
    %dma_wait3A_77 = tpu.memref_slice %arg16[%dma_wait3A_75, %dma_wait3A_76] : memref<10240x32xf32, #tpu.memory_space<vmem_shared>> -> memref<10240x32xf32, #tpu.memory_space<vmem_shared>>
    tpu.wait_indirect_dma semaphore(%arg26 : memref<!tpu.dma_semaphore, #tpu.memory_space<semaphore_mem>>) src(%arg8 : memref<128x32xf32, #tpu.memory_space<vmem>>) dst(%dma_wait3A_77 : memref<10240x32xf32, #tpu.memory_space<vmem_shared>>)
    %dma_wait3A_78 = arith.constant 74 : i32
    %dma_wait3A_79 = arith.constant 0 : i32
    %dma_wait3A_80 = tpu.memref_slice %arg6[%dma_wait3A_78, %dma_wait3A_79] : memref<80x128xi32, #tpu.memory_space<vmem>> -> memref<1x128xi32, #tpu.memory_space<vmem>>
    %dma_wait3A_81 = tpu.memref_squeeze %dma_wait3A_80 : memref<1x128xi32, #tpu.memory_space<vmem>> -> memref<128xi32, #tpu.memory_space<vmem>>
    %dma_wait3A_82 = arith.constant 0 : i32
    %dma_wait3A_83 = arith.constant 0 : i32
    %dma_wait3A_84 = tpu.memref_slice %arg16[%dma_wait3A_82, %dma_wait3A_83] : memref<10240x32xf32, #tpu.memory_space<vmem_shared>> -> memref<10240x32xf32, #tpu.memory_space<vmem_shared>>
    tpu.wait_indirect_dma semaphore(%arg27 : memref<!tpu.dma_semaphore, #tpu.memory_space<semaphore_mem>>) src(%arg9 : memref<128x32xf32, #tpu.memory_space<vmem>>) dst(%dma_wait3A_84 : memref<10240x32xf32, #tpu.memory_space<vmem_shared>>)
    %dma_wait3A_85 = arith.constant 75 : i32
    %dma_wait3A_86 = arith.constant 0 : i32
    %dma_wait3A_87 = tpu.memref_slice %arg6[%dma_wait3A_85, %dma_wait3A_86] : memref<80x128xi32, #tpu.memory_space<vmem>> -> memref<1x128xi32, #tpu.memory_space<vmem>>
    %dma_wait3A_88 = tpu.memref_squeeze %dma_wait3A_87 : memref<1x128xi32, #tpu.memory_space<vmem>> -> memref<128xi32, #tpu.memory_space<vmem>>
    %dma_wait3A_89 = arith.constant 0 : i32
    %dma_wait3A_90 = arith.constant 0 : i32
    %dma_wait3A_91 = tpu.memref_slice %arg16[%dma_wait3A_89, %dma_wait3A_90] : memref<10240x32xf32, #tpu.memory_space<vmem_shared>> -> memref<10240x32xf32, #tpu.memory_space<vmem_shared>>
    tpu.wait_indirect_dma semaphore(%arg28 : memref<!tpu.dma_semaphore, #tpu.memory_space<semaphore_mem>>) src(%arg10 : memref<128x32xf32, #tpu.memory_space<vmem>>) dst(%dma_wait3A_91 : memref<10240x32xf32, #tpu.memory_space<vmem_shared>>)
    %dma_wait3A_92 = arith.constant 76 : i32
    %dma_wait3A_93 = arith.constant 0 : i32
    %dma_wait3A_94 = tpu.memref_slice %arg6[%dma_wait3A_92, %dma_wait3A_93] : memref<80x128xi32, #tpu.memory_space<vmem>> -> memref<1x128xi32, #tpu.memory_space<vmem>>
    %dma_wait3A_95 = tpu.memref_squeeze %dma_wait3A_94 : memref<1x128xi32, #tpu.memory_space<vmem>> -> memref<128xi32, #tpu.memory_space<vmem>>
    %dma_wait3A_96 = arith.constant 0 : i32
    %dma_wait3A_97 = arith.constant 0 : i32
    %dma_wait3A_98 = tpu.memref_slice %arg16[%dma_wait3A_96, %dma_wait3A_97] : memref<10240x32xf32, #tpu.memory_space<vmem_shared>> -> memref<10240x32xf32, #tpu.memory_space<vmem_shared>>
    tpu.wait_indirect_dma semaphore(%arg29 : memref<!tpu.dma_semaphore, #tpu.memory_space<semaphore_mem>>) src(%arg11 : memref<128x32xf32, #tpu.memory_space<vmem>>) dst(%dma_wait3A_98 : memref<10240x32xf32, #tpu.memory_space<vmem_shared>>)
    %dma_wait3A_99 = arith.constant 77 : i32
    %dma_wait3A_100 = arith.constant 0 : i32
    %dma_wait3A_101 = tpu.memref_slice %arg6[%dma_wait3A_99, %dma_wait3A_100] : memref<80x128xi32, #tpu.memory_space<vmem>> -> memref<1x128xi32, #tpu.memory_space<vmem>>
    %dma_wait3A_102 = tpu.memref_squeeze %dma_wait3A_101 : memref<1x128xi32, #tpu.memory_space<vmem>> -> memref<128xi32, #tpu.memory_space<vmem>>
    %dma_wait3A_103 = arith.constant 0 : i32
    %dma_wait3A_104 = arith.constant 0 : i32
    %dma_wait3A_105 = tpu.memref_slice %arg16[%dma_wait3A_103, %dma_wait3A_104] : memref<10240x32xf32, #tpu.memory_space<vmem_shared>> -> memref<10240x32xf32, #tpu.memory_space<vmem_shared>>
    tpu.wait_indirect_dma semaphore(%arg30 : memref<!tpu.dma_semaphore, #tpu.memory_space<semaphore_mem>>) src(%arg12 : memref<128x32xf32, #tpu.memory_space<vmem>>) dst(%dma_wait3A_105 : memref<10240x32xf32, #tpu.memory_space<vmem_shared>>)
    %dma_wait3A_106 = arith.constant 78 : i32
    %dma_wait3A_107 = arith.constant 0 : i32
    %dma_wait3A_108 = tpu.memref_slice %arg6[%dma_wait3A_106, %dma_wait3A_107] : memref<80x128xi32, #tpu.memory_space<vmem>> -> memref<1x128xi32, #tpu.memory_space<vmem>>
    %dma_wait3A_109 = tpu.memref_squeeze %dma_wait3A_108 : memref<1x128xi32, #tpu.memory_space<vmem>> -> memref<128xi32, #tpu.memory_space<vmem>>
    %dma_wait3A_110 = arith.constant 0 : i32
    %dma_wait3A_111 = arith.constant 0 : i32
    %dma_wait3A_112 = tpu.memref_slice %arg16[%dma_wait3A_110, %dma_wait3A_111] : memref<10240x32xf32, #tpu.memory_space<vmem_shared>> -> memref<10240x32xf32, #tpu.memory_space<vmem_shared>>
    tpu.wait_indirect_dma semaphore(%arg31 : memref<!tpu.dma_semaphore, #tpu.memory_space<semaphore_mem>>) src(%arg13 : memref<128x32xf32, #tpu.memory_space<vmem>>) dst(%dma_wait3A_112 : memref<10240x32xf32, #tpu.memory_space<vmem_shared>>)
    %dma_wait3A_113 = arith.constant 79 : i32
    %dma_wait3A_114 = arith.constant 0 : i32
    %dma_wait3A_115 = tpu.memref_slice %arg6[%dma_wait3A_113, %dma_wait3A_114] : memref<80x128xi32, #tpu.memory_space<vmem>> -> memref<1x128xi32, #tpu.memory_space<vmem>>
    %dma_wait3A_116 = tpu.memref_squeeze %dma_wait3A_115 : memref<1x128xi32, #tpu.memory_space<vmem>> -> memref<128xi32, #tpu.memory_space<vmem>>
    %dma_wait3A_117 = arith.constant 0 : i32
    %dma_wait3A_118 = arith.constant 0 : i32
    %dma_wait3A_119 = tpu.memref_slice %arg16[%dma_wait3A_117, %dma_wait3A_118] : memref<10240x32xf32, #tpu.memory_space<vmem_shared>> -> memref<10240x32xf32, #tpu.memory_space<vmem_shared>>
    tpu.wait_indirect_dma semaphore(%arg32 : memref<!tpu.dma_semaphore, #tpu.memory_space<semaphore_mem>>) src(%arg14 : memref<128x32xf32, #tpu.memory_space<vmem>>) dst(%dma_wait3A_119 : memref<10240x32xf32, #tpu.memory_space<vmem_shared>>)
    %barrier3A_120 = arith.constant 0 : index
    tpu.barrier barrier_id(%barrier3A_120)
    %mul3A_121 = arith.constant 640 : i32
    %mul3A_122 = arith.muli %arg1, %mul3A_121 : i32
    %mul3A_123 = arith.constant 640 : i32
    %mul3A_124 = arith.muli %arg1, %mul3A_123 : i32
    "tpu.region"() ({
      %run_scoped3A_125 = tpu.sem_alloc : memref<!tpu.dma_semaphore, #tpu.memory_space<semaphore_mem>>
      %dma_start3A_126 = arith.constant 0 : i32
      %dma_start3A_127 = tpu.memref_slice %arg4[%arg0, %mul3A_124, %dma_start3A_126] : memref<2x10240x32xf32, #tpu.memory_space<hbm>> -> memref<1x640x32xf32, #tpu.memory_space<hbm>>
      %dma_start3A_128 = tpu.memref_squeeze %dma_start3A_127 : memref<1x640x32xf32, #tpu.memory_space<hbm>> -> memref<640x32xf32, #tpu.memory_space<hbm>>
      %dma_start3A_129 = arith.constant 0 : i32
      %dma_start3A_130 = tpu.memref_slice %arg16[%mul3A_122, %dma_start3A_129] : memref<10240x32xf32, #tpu.memory_space<vmem_shared>> -> memref<640x32xf32, #tpu.memory_space<vmem_shared>>
      tpu.enqueue_dma source(%dma_start3A_130 : memref<640x32xf32, #tpu.memory_space<vmem_shared>>) target(%dma_start3A_128 : memref<640x32xf32, #tpu.memory_space<hbm>>) target_semaphore(%run_scoped3A_125 : memref<!tpu.dma_semaphore, #tpu.memory_space<semaphore_mem>>)
      %dma_wait3A_131 = arith.constant 0 : i32
      %dma_wait3A_132 = tpu.memref_slice %arg4[%arg0, %mul3A_124, %dma_wait3A_131] : memref<2x10240x32xf32, #tpu.memory_space<hbm>> -> memref<1x640x32xf32, #tpu.memory_space<hbm>>
      %dma_wait3A_133 = tpu.memref_squeeze %dma_wait3A_132 : memref<1x640x32xf32, #tpu.memory_space<hbm>> -> memref<640x32xf32, #tpu.memory_space<hbm>>
      %dma_wait3A_134 = arith.constant 0 : i32
      %dma_wait3A_135 = tpu.memref_slice %arg16[%mul3A_122, %dma_wait3A_134] : memref<10240x32xf32, #tpu.memory_space<vmem_shared>> -> memref<640x32xf32, #tpu.memory_space<vmem_shared>>
      tpu.wait_dma2 semaphore(%run_scoped3A_125 : memref<!tpu.dma_semaphore, #tpu.memory_space<semaphore_mem>>) src(%dma_wait3A_135 : memref<640x32xf32, #tpu.memory_space<vmem_shared>>) dst(%dma_wait3A_133 : memref<640x32xf32, #tpu.memory_space<hbm>>)
      tpu.yield
    }) : () -> ()
    return
  }
}

module attributes {stable_mosaic.version = 14 : i64} {
  func.func @_hmat_body(%arg0: i32, %arg1: memref<640x512xf32, #tpu.memory_space<vmem>>, %arg2: memref<128x32xf32, #tpu.memory_space<vmem>>, %arg3: memref<640x128xf32, #tpu.memory_space<vmem>>) attributes {dimension_semantics = [#tpu.dimension_semantics<arbitrary>], iteration_bounds = array<i64: 4>, scalar_prefetch = 0 : i64, scratch_operands = 0 : i64, tpu.core_type = #tpu.core_type<tc>, window_params = [{transform_indices = @transform_0, window_bounds = array<i64: 640, 512>}, {pipeline_mode = #tpu.pipeline_mode<synchronous>, transform_indices = @transform_1, window_bounds = array<i64: 128, 32>}, {transform_indices = @transform_2, window_bounds = array<i64: 640, 128>}]} {
    %get3A = arith.constant 0 : index
    %get3A_0 = arith.constant 0 : index
    %get3A_1 = vector.load %arg1[%get3A, %get3A_0] : memref<640x512xf32, #tpu.memory_space<vmem>>, vector<640x128xf32>
    %get3A_2 = arith.constant 0 : index
    %get3A_3 = arith.constant 0 : index
    %get3A_4 = vector.load %arg2[%get3A_2, %get3A_3] : memref<128x32xf32, #tpu.memory_space<vmem>>, vector<128x32xf32>
    %dot_general3A = arith.constant dense<0.000000e+00> : vector<640x32xf32>
    %dot_general3A_5 = tpu.matmul %get3A_1, %get3A_4, %dot_general3A {dimension_numbers = #tpu.dot_dimension_numbers<[1], [0], [0], [1], [0, 0, 1, 1], [], []>, transpose_lhs_hint = false} : vector<640x128xf32>, vector<128x32xf32>, vector<640x32xf32> -> vector<640x32xf32>
    %swap3A = arith.constant 0 : index
    %swap3A_6 = arith.constant 0 : index
    %swap3A_7 = vector.load %arg3[%swap3A, %swap3A_6] : memref<640x128xf32, #tpu.memory_space<vmem>>, vector<640x32xf32>
    tpu.vector_store %arg3[%swap3A, %swap3A_6], %dot_general3A_5 {strides = array<i32>} : memref<640x128xf32, #tpu.memory_space<vmem>>, vector<640x32xf32>,
    %get3A_8 = arith.constant 0 : index
    %get3A_9 = arith.constant 128 : index
    %get3A_10 = vector.load %arg1[%get3A_8, %get3A_9] : memref<640x512xf32, #tpu.memory_space<vmem>>, vector<640x128xf32>
    %get3A_11 = arith.constant 0 : index
    %get3A_12 = arith.constant 0 : index
    %get3A_13 = vector.load %arg2[%get3A_11, %get3A_12] : memref<128x32xf32, #tpu.memory_space<vmem>>, vector<128x32xf32>
    %dot_general3A_14 = arith.constant dense<0.000000e+00> : vector<640x32xf32>
    %dot_general3A_15 = tpu.matmul %get3A_10, %get3A_13, %dot_general3A_14 {dimension_numbers = #tpu.dot_dimension_numbers<[1], [0], [0], [1], [0, 0, 1, 1], [], []>, transpose_lhs_hint = false} : vector<640x128xf32>, vector<128x32xf32>, vector<640x32xf32> -> vector<640x32xf32>
    %swap3A_16 = arith.constant 0 : index
    %swap3A_17 = arith.constant 32 : index
    %swap3A_18 = vector.load %arg3[%swap3A_16, %swap3A_17] : memref<640x128xf32, #tpu.memory_space<vmem>>, vector<640x32xf32>
    tpu.vector_store %arg3[%swap3A_16, %swap3A_17], %dot_general3A_15 {strides = array<i32>} : memref<640x128xf32, #tpu.memory_space<vmem>>, vector<640x32xf32>,
    %get3A_19 = arith.constant 0 : index
    %get3A_20 = arith.constant 256 : index
    %get3A_21 = vector.load %arg1[%get3A_19, %get3A_20] : memref<640x512xf32, #tpu.memory_space<vmem>>, vector<640x128xf32>
    %get3A_22 = arith.constant 0 : index
    %get3A_23 = arith.constant 0 : index
    %get3A_24 = vector.load %arg2[%get3A_22, %get3A_23] : memref<128x32xf32, #tpu.memory_space<vmem>>, vector<128x32xf32>
    %dot_general3A_25 = arith.constant dense<0.000000e+00> : vector<640x32xf32>
    %dot_general3A_26 = tpu.matmul %get3A_21, %get3A_24, %dot_general3A_25 {dimension_numbers = #tpu.dot_dimension_numbers<[1], [0], [0], [1], [0, 0, 1, 1], [], []>, transpose_lhs_hint = false} : vector<640x128xf32>, vector<128x32xf32>, vector<640x32xf32> -> vector<640x32xf32>
    %swap3A_27 = arith.constant 0 : index
    %swap3A_28 = arith.constant 64 : index
    %swap3A_29 = vector.load %arg3[%swap3A_27, %swap3A_28] : memref<640x128xf32, #tpu.memory_space<vmem>>, vector<640x32xf32>
    tpu.vector_store %arg3[%swap3A_27, %swap3A_28], %dot_general3A_26 {strides = array<i32>} : memref<640x128xf32, #tpu.memory_space<vmem>>, vector<640x32xf32>,
    %get3A_30 = arith.constant 0 : index
    %get3A_31 = arith.constant 384 : index
    %get3A_32 = vector.load %arg1[%get3A_30, %get3A_31] : memref<640x512xf32, #tpu.memory_space<vmem>>, vector<640x128xf32>
    %get3A_33 = arith.constant 0 : index
    %get3A_34 = arith.constant 0 : index
    %get3A_35 = vector.load %arg2[%get3A_33, %get3A_34] : memref<128x32xf32, #tpu.memory_space<vmem>>, vector<128x32xf32>
    %dot_general3A_36 = arith.constant dense<0.000000e+00> : vector<640x32xf32>
    %dot_general3A_37 = tpu.matmul %get3A_32, %get3A_35, %dot_general3A_36 {dimension_numbers = #tpu.dot_dimension_numbers<[1], [0], [0], [1], [0, 0, 1, 1], [], []>, transpose_lhs_hint = false} : vector<640x128xf32>, vector<128x32xf32>, vector<640x32xf32> -> vector<640x32xf32>
    %swap3A_38 = arith.constant 0 : index
    %swap3A_39 = arith.constant 96 : index
    %swap3A_40 = vector.load %arg3[%swap3A_38, %swap3A_39] : memref<640x128xf32, #tpu.memory_space<vmem>>, vector<640x32xf32>
    tpu.vector_store %arg3[%swap3A_38, %swap3A_39], %dot_general3A_37 {strides = array<i32>} : memref<640x128xf32, #tpu.memory_space<vmem>>, vector<640x32xf32>,
    return
  }
  func.func @transform_0(%arg0: i32) -> (i32, i32) {
    %c0_i32 = arith.constant 0 : i32
    %c0_i32_0 = arith.constant 0 : i32
    return %arg0, %c0_i32 : i32, i32
  }
  func.func @transform_1(%arg0: i32) -> (i32, i32) {
    %c0_i32 = arith.constant 0 : i32
    %c0_i32_0 = arith.constant 0 : i32
    %c0_i32_1 = arith.constant 0 : i32
    return %c0_i32, %c0_i32_0 : i32, i32
  }
  func.func @transform_2(%arg0: i32) -> (i32, i32) {
    %c0_i32 = arith.constant 0 : i32
    %c0_i32_0 = arith.constant 0 : i32
    return %arg0, %c0_i32 : i32, i32
  }
}

module attributes {stable_mosaic.version = 14 : i64} {
  func.func @_hscale_body(%arg0: memref<2560x128xf32, #tpu.memory_space<vmem>>, %arg1: memref<2x4x2560xf32, #tpu.memory_space<vmem>>, %arg2: memref<2560x128xf32, #tpu.memory_space<vmem>>) attributes {dimension_semantics = [], scalar_prefetch = 0 : i64, scratch_operands = 0 : i64, tpu.core_type = #tpu.core_type<tc>} {
    %get3A = arith.constant 0 : index
    %get3A_0 = arith.constant 0 : index
    %get3A_1 = arith.constant 0 : index
    %get3A_2 = vector.load %arg1[%get3A, %get3A_0, %get3A_1] : memref<2x4x2560xf32, #tpu.memory_space<vmem>>, vector<2x4x2560xf32>
    %slice3A = vector.extract_strided_slice %get3A_2 {offsets = [0, 0, 0], sizes = [1, 4, 2560], strides = [1, 1, 1]} : vector<2x4x2560xf32> to vector<1x4x2560xf32>
    %squeeze3A = vector.shape_cast %slice3A : vector<1x4x2560xf32> to vector<4x2560xf32>
    %slice3A_3 = vector.extract_strided_slice %get3A_2 {offsets = [1, 0, 0], sizes = [1, 4, 2560], strides = [1, 1, 1]} : vector<2x4x2560xf32> to vector<1x4x2560xf32>
    %squeeze3A_4 = vector.shape_cast %slice3A_3 : vector<1x4x2560xf32> to vector<4x2560xf32>
    %add3A = arith.addf %squeeze3A, %squeeze3A_4 : vector<4x2560xf32>
    %iota3A = tpu.iota {dimensions = array<i32: 0>} : vector<4x4xi32>
    %iota3A_5 = tpu.iota {dimensions = array<i32: 1>} : vector<4x4xi32>
    %eq3A = arith.cmpi eq, %iota3A, %iota3A_5 : vector<4x4xi32>
    %convert_element_type3A = arith.extui %eq3A : vector<4x4xi1> to vector<4x4xi32>
    %convert_element_type3A_6 = arith.sitofp %convert_element_type3A : vector<4x4xi32> to vector<4x4xf32>
    %dot_general3A = arith.constant dense<0.000000e+00> : vector<2560x4xf32>
    %dot_general3A_7 = tpu.matmul %add3A, %convert_element_type3A_6, %dot_general3A {dimension_numbers = #tpu.dot_dimension_numbers<[0], [0], [1], [1], [0, 1, 1, 1], [], []>, transpose_lhs_hint = false} : vector<4x2560xf32>, vector<4x4xf32>, vector<2560x4xf32> -> vector<2560x4xf32>
    %max3A = arith.constant 1.000000e+00 : f32
    %max3A_8 = vector.broadcast %max3A : f32 to vector<2560x4xf32>
    %max3A_9 = arith.maximumf %dot_general3A_7, %max3A_8 : vector<2560x4xf32>
    %rsqrt3A = math.rsqrt %max3A_9 : vector<2560x4xf32>
    %get3A_10 = arith.constant 0 : index
    %get3A_11 = arith.constant 0 : index
    %get3A_12 = vector.load %arg0[%get3A_10, %get3A_11] : memref<2560x128xf32, #tpu.memory_space<vmem>>, vector<2560x32xf32>
    %slice3A_13 = vector.extract_strided_slice %rsqrt3A {offsets = [0, 0], sizes = [2560, 1], strides = [1, 1]} : vector<2560x4xf32> to vector<2560x1xf32>
    %mul3A = vector.broadcast %slice3A_13 : vector<2560x1xf32> to vector<2560x32xf32>
    %mul3A_14 = arith.mulf %get3A_12, %mul3A : vector<2560x32xf32>
    %swap3A = arith.constant 0 : index
    %swap3A_15 = arith.constant 0 : index
    %swap3A_16 = vector.load %arg2[%swap3A, %swap3A_15] : memref<2560x128xf32, #tpu.memory_space<vmem>>, vector<2560x32xf32>
    tpu.vector_store %arg2[%swap3A, %swap3A_15], %mul3A_14 {strides = array<i32>} : memref<2560x128xf32, #tpu.memory_space<vmem>>, vector<2560x32xf32>,
    %get3A_17 = arith.constant 0 : index
    %get3A_18 = arith.constant 32 : index
    %get3A_19 = vector.load %arg0[%get3A_17, %get3A_18] : memref<2560x128xf32, #tpu.memory_space<vmem>>, vector<2560x32xf32>
    %slice3A_20 = vector.extract_strided_slice %rsqrt3A {offsets = [0, 1], sizes = [2560, 1], strides = [1, 1]} : vector<2560x4xf32> to vector<2560x1xf32>
    %mul3A_21 = vector.broadcast %slice3A_20 : vector<2560x1xf32> to vector<2560x32xf32>
    %mul3A_22 = arith.mulf %get3A_19, %mul3A_21 : vector<2560x32xf32>
    %swap3A_23 = arith.constant 0 : index
    %swap3A_24 = arith.constant 32 : index
    %swap3A_25 = vector.load %arg2[%swap3A_23, %swap3A_24] : memref<2560x128xf32, #tpu.memory_space<vmem>>, vector<2560x32xf32>
    tpu.vector_store %arg2[%swap3A_23, %swap3A_24], %mul3A_22 {strides = array<i32>} : memref<2560x128xf32, #tpu.memory_space<vmem>>, vector<2560x32xf32>,
    %get3A_26 = arith.constant 0 : index
    %get3A_27 = arith.constant 64 : index
    %get3A_28 = vector.load %arg0[%get3A_26, %get3A_27] : memref<2560x128xf32, #tpu.memory_space<vmem>>, vector<2560x32xf32>
    %slice3A_29 = vector.extract_strided_slice %rsqrt3A {offsets = [0, 2], sizes = [2560, 1], strides = [1, 1]} : vector<2560x4xf32> to vector<2560x1xf32>
    %mul3A_30 = vector.broadcast %slice3A_29 : vector<2560x1xf32> to vector<2560x32xf32>
    %mul3A_31 = arith.mulf %get3A_28, %mul3A_30 : vector<2560x32xf32>
    %swap3A_32 = arith.constant 0 : index
    %swap3A_33 = arith.constant 64 : index
    %swap3A_34 = vector.load %arg2[%swap3A_32, %swap3A_33] : memref<2560x128xf32, #tpu.memory_space<vmem>>, vector<2560x32xf32>
    tpu.vector_store %arg2[%swap3A_32, %swap3A_33], %mul3A_31 {strides = array<i32>} : memref<2560x128xf32, #tpu.memory_space<vmem>>, vector<2560x32xf32>,
    %get3A_35 = arith.constant 0 : index
    %get3A_36 = arith.constant 96 : index
    %get3A_37 = vector.load %arg0[%get3A_35, %get3A_36] : memref<2560x128xf32, #tpu.memory_space<vmem>>, vector<2560x32xf32>
    %slice3A_38 = vector.extract_strided_slice %rsqrt3A {offsets = [0, 3], sizes = [2560, 1], strides = [1, 1]} : vector<2560x4xf32> to vector<2560x1xf32>
    %mul3A_39 = vector.broadcast %slice3A_38 : vector<2560x1xf32> to vector<2560x32xf32>
    %mul3A_40 = arith.mulf %get3A_37, %mul3A_39 : vector<2560x32xf32>
    %swap3A_41 = arith.constant 0 : index
    %swap3A_42 = arith.constant 96 : index
    %swap3A_43 = vector.load %arg2[%swap3A_41, %swap3A_42] : memref<2560x128xf32, #tpu.memory_space<vmem>>, vector<2560x32xf32>
    tpu.vector_store %arg2[%swap3A_41, %swap3A_42], %mul3A_40 {strides = array<i32>} : memref<2560x128xf32, #tpu.memory_space<vmem>>, vector<2560x32xf32>,
    return
  }
}

module attributes {stable_mosaic.version = 14 : i64} {
  func.func @_tail_body(%arg0: memref<2x2560x128xf32, #tpu.memory_space<vmem>>, %arg1: memref<2x4x2560xf32, #tpu.memory_space<vmem>>, %arg2: memref<1x32xf32, #tpu.memory_space<vmem>>, %arg3: memref<4x2560xi32, #tpu.memory_space<vmem>>, %arg4: memref<32x512xf32, #tpu.memory_space<vmem>>, %arg5: memref<1x512xf32, #tpu.memory_space<vmem>>, %arg6: memref<512x10xf32, #tpu.memory_space<vmem>>, %arg7: memref<1x10xf32, #tpu.memory_space<vmem>>, %arg8: memref<64x10xf32, #tpu.memory_space<vmem>>) attributes {dimension_semantics = [], scalar_prefetch = 0 : i64, scratch_operands = 0 : i64, tpu.core_type = #tpu.core_type<tc>} {
    %get3A = arith.constant 0 : index
    %get3A_0 = arith.constant 0 : index
    %get3A_1 = arith.constant 0 : index
    %get3A_2 = vector.load %arg1[%get3A, %get3A_0, %get3A_1] : memref<2x4x2560xf32, #tpu.memory_space<vmem>>, vector<2x4x2560xf32>
    %slice3A = vector.extract_strided_slice %get3A_2 {offsets = [0, 0, 0], sizes = [1, 4, 2560], strides = [1, 1, 1]} : vector<2x4x2560xf32> to vector<1x4x2560xf32>
    %squeeze3A = vector.shape_cast %slice3A : vector<1x4x2560xf32> to vector<4x2560xf32>
    %slice3A_3 = vector.extract_strided_slice %get3A_2 {offsets = [1, 0, 0], sizes = [1, 4, 2560], strides = [1, 1, 1]} : vector<2x4x2560xf32> to vector<1x4x2560xf32>
    %squeeze3A_4 = vector.shape_cast %slice3A_3 : vector<1x4x2560xf32> to vector<4x2560xf32>
    %add3A = arith.addf %squeeze3A, %squeeze3A_4 : vector<4x2560xf32>
    %iota3A = tpu.iota {dimensions = array<i32: 0>} : vector<4x4xi32>
    %iota3A_5 = tpu.iota {dimensions = array<i32: 1>} : vector<4x4xi32>
    %eq3A = arith.cmpi eq, %iota3A, %iota3A_5 : vector<4x4xi32>
    %convert_element_type3A = arith.extui %eq3A : vector<4x4xi1> to vector<4x4xi32>
    %convert_element_type3A_6 = arith.sitofp %convert_element_type3A : vector<4x4xi32> to vector<4x4xf32>
    %dot_general3A = arith.constant dense<0.000000e+00> : vector<2560x4xf32>
    %dot_general3A_7 = tpu.matmul %add3A, %convert_element_type3A_6, %dot_general3A {dimension_numbers = #tpu.dot_dimension_numbers<[0], [0], [1], [1], [0, 1, 1, 1], [], []>, transpose_lhs_hint = false} : vector<4x2560xf32>, vector<4x4xf32>, vector<2560x4xf32> -> vector<2560x4xf32>
    %max3A = arith.constant 1.000000e+00 : f32
    %max3A_8 = vector.broadcast %max3A : f32 to vector<2560x4xf32>
    %max3A_9 = arith.maximumf %dot_general3A_7, %max3A_8 : vector<2560x4xf32>
    %rsqrt3A = math.rsqrt %max3A_9 : vector<2560x4xf32>
    %get3A_10 = arith.constant 0 : index
    %get3A_11 = arith.constant 0 : index
    %get3A_12 = arith.constant 0 : index
    %get3A_13 = vector.load %arg0[%get3A_10, %get3A_11, %get3A_12] : memref<2x2560x128xf32, #tpu.memory_space<vmem>>, vector<1x2560x128xf32>
    %get3A_14 = vector.shape_cast %get3A_13 : vector<1x2560x128xf32> to vector<2560x128xf32>
    %get3A_15 = arith.constant 1 : index
    %get3A_16 = arith.constant 0 : index
    %get3A_17 = arith.constant 0 : index
    %get3A_18 = vector.load %arg0[%get3A_15, %get3A_16, %get3A_17] : memref<2x2560x128xf32, #tpu.memory_space<vmem>>, vector<1x2560x128xf32>
    %get3A_19 = vector.shape_cast %get3A_18 : vector<1x2560x128xf32> to vector<2560x128xf32>
    %add3A_20 = arith.addf %get3A_14, %get3A_19 : vector<2560x128xf32>
    %iota3A_21 = tpu.iota {dimensions = array<i32: 0>} : vector<64x2560xi32>
    %broadcast_in_dim3A = arith.constant 0.000000e+00 : f32
    %broadcast_in_dim3A_22 = vector.broadcast %broadcast_in_dim3A : f32 to vector<64x32xf32>
    %broadcast_in_dim3A_23 = arith.constant 0.000000e+00 : f32
    %broadcast_in_dim3A_24 = vector.broadcast %broadcast_in_dim3A_23 : f32 to vector<64x1xf32>
    %slice3A_25 = vector.extract_strided_slice %add3A_20 {offsets = [0, 0], sizes = [2560, 32], strides = [1, 1]} : vector<2560x128xf32> to vector<2560x32xf32>
    %slice3A_26 = vector.extract_strided_slice %rsqrt3A {offsets = [0, 0], sizes = [2560, 1], strides = [1, 1]} : vector<2560x4xf32> to vector<2560x1xf32>
    %mul3A = vector.broadcast %slice3A_26 : vector<2560x1xf32> to vector<2560x32xf32>
    %mul3A_27 = arith.mulf %slice3A_25, %mul3A : vector<2560x32xf32>
    %get3A_28 = arith.constant 0 : index
    %get3A_29 = arith.constant 0 : index
    %get3A_30 = vector.load %arg2[%get3A_28, %get3A_29] : memref<1x32xf32, #tpu.memory_space<vmem>>, vector<1x32xf32>
    %add3A_31 = vector.broadcast %get3A_30 : vector<1x32xf32> to vector<2560x32xf32>
    %add3A_32 = arith.addf %mul3A_27, %add3A_31 : vector<2560x32xf32>
    %max3A_33 = arith.constant 0.000000e+00 : f32
    %max3A_34 = vector.broadcast %max3A_33 : f32 to vector<2560x32xf32>
    %max3A_35 = arith.maximumf %add3A_32, %max3A_34 : vector<2560x32xf32>
    %get3A_36 = arith.constant 0 : index
    %get3A_37 = arith.constant 0 : index
    %get3A_38 = vector.load %arg3[%get3A_36, %get3A_37] : memref<4x2560xi32, #tpu.memory_space<vmem>>, vector<1x2560xi32>
    %eq3A_39 = vector.broadcast %get3A_38 : vector<1x2560xi32> to vector<64x2560xi32>
    %eq3A_40 = arith.cmpi eq, %eq3A_39, %iota3A_21 : vector<64x2560xi32>
    %convert_element_type3A_41 = arith.extui %eq3A_40 : vector<64x2560xi1> to vector<64x2560xi32>
    %convert_element_type3A_42 = arith.sitofp %convert_element_type3A_41 : vector<64x2560xi32> to vector<64x2560xf32>
    %dot_general3A_43 = arith.constant dense<0.000000e+00> : vector<64x32xf32>
    %dot_general3A_44 = tpu.matmul %convert_element_type3A_42, %max3A_35, %dot_general3A_43 {dimension_numbers = #tpu.dot_dimension_numbers<[1], [0], [0], [1], [0, 0, 1, 1], [], []>, transpose_lhs_hint = false} : vector<64x2560xf32>, vector<2560x32xf32>, vector<64x32xf32> -> vector<64x32xf32>
    %add3A_45 = arith.addf %broadcast_in_dim3A_22, %dot_general3A_44 : vector<64x32xf32>
    %reduce_sum3A = arith.constant dense<0.000000e+00> : vector<64xf32>
    %reduce_sum3A_46 = vector.multi_reduction <add>, %convert_element_type3A_42, %reduce_sum3A [1] : vector<64x2560xf32> to vector<64xf32>
    %broadcast_in_dim3A_47 = vector.shape_cast %reduce_sum3A_46 : vector<64xf32> to vector<64x1xf32>
    %add3A_48 = arith.addf %broadcast_in_dim3A_24, %broadcast_in_dim3A_47 : vector<64x1xf32>
    %slice3A_49 = vector.extract_strided_slice %add3A_20 {offsets = [0, 32], sizes = [2560, 32], strides = [1, 1]} : vector<2560x128xf32> to vector<2560x32xf32>
    %slice3A_50 = vector.extract_strided_slice %rsqrt3A {offsets = [0, 1], sizes = [2560, 1], strides = [1, 1]} : vector<2560x4xf32> to vector<2560x1xf32>
    %mul3A_51 = vector.broadcast %slice3A_50 : vector<2560x1xf32> to vector<2560x32xf32>
    %mul3A_52 = arith.mulf %slice3A_49, %mul3A_51 : vector<2560x32xf32>
    %get3A_53 = arith.constant 0 : index
    %get3A_54 = arith.constant 0 : index
    %get3A_55 = vector.load %arg2[%get3A_53, %get3A_54] : memref<1x32xf32, #tpu.memory_space<vmem>>, vector<1x32xf32>
    %add3A_56 = vector.broadcast %get3A_55 : vector<1x32xf32> to vector<2560x32xf32>
    %add3A_57 = arith.addf %mul3A_52, %add3A_56 : vector<2560x32xf32>
    %max3A_58 = arith.constant 0.000000e+00 : f32
    %max3A_59 = vector.broadcast %max3A_58 : f32 to vector<2560x32xf32>
    %max3A_60 = arith.maximumf %add3A_57, %max3A_59 : vector<2560x32xf32>
    %get3A_61 = arith.constant 1 : index
    %get3A_62 = arith.constant 0 : index
    %get3A_63 = vector.load %arg3[%get3A_61, %get3A_62] : memref<4x2560xi32, #tpu.memory_space<vmem>>, vector<1x2560xi32>
    %eq3A_64 = vector.broadcast %get3A_63 : vector<1x2560xi32> to vector<64x2560xi32>
    %eq3A_65 = arith.cmpi eq, %eq3A_64, %iota3A_21 : vector<64x2560xi32>
    %convert_element_type3A_66 = arith.extui %eq3A_65 : vector<64x2560xi1> to vector<64x2560xi32>
    %convert_element_type3A_67 = arith.sitofp %convert_element_type3A_66 : vector<64x2560xi32> to vector<64x2560xf32>
    %dot_general3A_68 = arith.constant dense<0.000000e+00> : vector<64x32xf32>
    %dot_general3A_69 = tpu.matmul %convert_element_type3A_67, %max3A_60, %dot_general3A_68 {dimension_numbers = #tpu.dot_dimension_numbers<[1], [0], [0], [1], [0, 0, 1, 1], [], []>, transpose_lhs_hint = false} : vector<64x2560xf32>, vector<2560x32xf32>, vector<64x32xf32> -> vector<64x32xf32>
    %add3A_70 = arith.addf %add3A_45, %dot_general3A_69 : vector<64x32xf32>
    %reduce_sum3A_71 = arith.constant dense<0.000000e+00> : vector<64xf32>
    %reduce_sum3A_72 = vector.multi_reduction <add>, %convert_element_type3A_67, %reduce_sum3A_71 [1] : vector<64x2560xf32> to vector<64xf32>
    %broadcast_in_dim3A_73 = vector.shape_cast %reduce_sum3A_72 : vector<64xf32> to vector<64x1xf32>
    %add3A_74 = arith.addf %add3A_48, %broadcast_in_dim3A_73 : vector<64x1xf32>
    %slice3A_75 = vector.extract_strided_slice %add3A_20 {offsets = [0, 64], sizes = [2560, 32], strides = [1, 1]} : vector<2560x128xf32> to vector<2560x32xf32>
    %slice3A_76 = vector.extract_strided_slice %rsqrt3A {offsets = [0, 2], sizes = [2560, 1], strides = [1, 1]} : vector<2560x4xf32> to vector<2560x1xf32>
    %mul3A_77 = vector.broadcast %slice3A_76 : vector<2560x1xf32> to vector<2560x32xf32>
    %mul3A_78 = arith.mulf %slice3A_75, %mul3A_77 : vector<2560x32xf32>
    %get3A_79 = arith.constant 0 : index
    %get3A_80 = arith.constant 0 : index
    %get3A_81 = vector.load %arg2[%get3A_79, %get3A_80] : memref<1x32xf32, #tpu.memory_space<vmem>>, vector<1x32xf32>
    %add3A_82 = vector.broadcast %get3A_81 : vector<1x32xf32> to vector<2560x32xf32>
    %add3A_83 = arith.addf %mul3A_78, %add3A_82 : vector<2560x32xf32>
    %max3A_84 = arith.constant 0.000000e+00 : f32
    %max3A_85 = vector.broadcast %max3A_84 : f32 to vector<2560x32xf32>
    %max3A_86 = arith.maximumf %add3A_83, %max3A_85 : vector<2560x32xf32>
    %get3A_87 = arith.constant 2 : index
    %get3A_88 = arith.constant 0 : index
    %get3A_89 = vector.load %arg3[%get3A_87, %get3A_88] : memref<4x2560xi32, #tpu.memory_space<vmem>>, vector<1x2560xi32>
    %eq3A_90 = vector.broadcast %get3A_89 : vector<1x2560xi32> to vector<64x2560xi32>
    %eq3A_91 = arith.cmpi eq, %eq3A_90, %iota3A_21 : vector<64x2560xi32>
    %convert_element_type3A_92 = arith.extui %eq3A_91 : vector<64x2560xi1> to vector<64x2560xi32>
    %convert_element_type3A_93 = arith.sitofp %convert_element_type3A_92 : vector<64x2560xi32> to vector<64x2560xf32>
    %dot_general3A_94 = arith.constant dense<0.000000e+00> : vector<64x32xf32>
    %dot_general3A_95 = tpu.matmul %convert_element_type3A_93, %max3A_86, %dot_general3A_94 {dimension_numbers = #tpu.dot_dimension_numbers<[1], [0], [0], [1], [0, 0, 1, 1], [], []>, transpose_lhs_hint = false} : vector<64x2560xf32>, vector<2560x32xf32>, vector<64x32xf32> -> vector<64x32xf32>
    %add3A_96 = arith.addf %add3A_70, %dot_general3A_95 : vector<64x32xf32>
    %reduce_sum3A_97 = arith.constant dense<0.000000e+00> : vector<64xf32>
    %reduce_sum3A_98 = vector.multi_reduction <add>, %convert_element_type3A_93, %reduce_sum3A_97 [1] : vector<64x2560xf32> to vector<64xf32>
    %broadcast_in_dim3A_99 = vector.shape_cast %reduce_sum3A_98 : vector<64xf32> to vector<64x1xf32>
    %add3A_100 = arith.addf %add3A_74, %broadcast_in_dim3A_99 : vector<64x1xf32>
    %slice3A_101 = vector.extract_strided_slice %add3A_20 {offsets = [0, 96], sizes = [2560, 32], strides = [1, 1]} : vector<2560x128xf32> to vector<2560x32xf32>
    %slice3A_102 = vector.extract_strided_slice %rsqrt3A {offsets = [0, 3], sizes = [2560, 1], strides = [1, 1]} : vector<2560x4xf32> to vector<2560x1xf32>
    %mul3A_103 = vector.broadcast %slice3A_102 : vector<2560x1xf32> to vector<2560x32xf32>
    %mul3A_104 = arith.mulf %slice3A_101, %mul3A_103 : vector<2560x32xf32>
    %get3A_105 = arith.constant 0 : index
    %get3A_106 = arith.constant 0 : index
    %get3A_107 = vector.load %arg2[%get3A_105, %get3A_106] : memref<1x32xf32, #tpu.memory_space<vmem>>, vector<1x32xf32>
    %add3A_108 = vector.broadcast %get3A_107 : vector<1x32xf32> to vector<2560x32xf32>
    %add3A_109 = arith.addf %mul3A_104, %add3A_108 : vector<2560x32xf32>
    %max3A_110 = arith.constant 0.000000e+00 : f32
    %max3A_111 = vector.broadcast %max3A_110 : f32 to vector<2560x32xf32>
    %max3A_112 = arith.maximumf %add3A_109, %max3A_111 : vector<2560x32xf32>
    %get3A_113 = arith.constant 3 : index
    %get3A_114 = arith.constant 0 : index
    %get3A_115 = vector.load %arg3[%get3A_113, %get3A_114] : memref<4x2560xi32, #tpu.memory_space<vmem>>, vector<1x2560xi32>
    %eq3A_116 = vector.broadcast %get3A_115 : vector<1x2560xi32> to vector<64x2560xi32>
    %eq3A_117 = arith.cmpi eq, %eq3A_116, %iota3A_21 : vector<64x2560xi32>
    %convert_element_type3A_118 = arith.extui %eq3A_117 : vector<64x2560xi1> to vector<64x2560xi32>
    %convert_element_type3A_119 = arith.sitofp %convert_element_type3A_118 : vector<64x2560xi32> to vector<64x2560xf32>
    %dot_general3A_120 = arith.constant dense<0.000000e+00> : vector<64x32xf32>
    %dot_general3A_121 = tpu.matmul %convert_element_type3A_119, %max3A_112, %dot_general3A_120 {dimension_numbers = #tpu.dot_dimension_numbers<[1], [0], [0], [1], [0, 0, 1, 1], [], []>, transpose_lhs_hint = false} : vector<64x2560xf32>, vector<2560x32xf32>, vector<64x32xf32> -> vector<64x32xf32>
    %add3A_122 = arith.addf %add3A_96, %dot_general3A_121 : vector<64x32xf32>
    %reduce_sum3A_123 = arith.constant dense<0.000000e+00> : vector<64xf32>
    %reduce_sum3A_124 = vector.multi_reduction <add>, %convert_element_type3A_119, %reduce_sum3A_123 [1] : vector<64x2560xf32> to vector<64xf32>
    %broadcast_in_dim3A_125 = vector.shape_cast %reduce_sum3A_124 : vector<64xf32> to vector<64x1xf32>
    %add3A_126 = arith.addf %add3A_100, %broadcast_in_dim3A_125 : vector<64x1xf32>
    %max3A_127 = arith.constant 1.000000e+00 : f32
    %max3A_128 = vector.broadcast %max3A_127 : f32 to vector<64x1xf32>
    %max3A_129 = arith.maximumf %add3A_126, %max3A_128 : vector<64x1xf32>
    %div3A = vector.broadcast %max3A_129 : vector<64x1xf32> to vector<64x32xf32>
    %div3A_130 = arith.divf %add3A_122, %div3A : vector<64x32xf32>
    %get3A_131 = arith.constant 0 : index
    %get3A_132 = arith.constant 0 : index
    %get3A_133 = vector.load %arg4[%get3A_131, %get3A_132] : memref<32x512xf32, #tpu.memory_space<vmem>>, vector<32x512xf32>
    %dot_general3A_134 = arith.constant dense<0.000000e+00> : vector<64x512xf32>
    %dot_general3A_135 = tpu.matmul %div3A_130, %get3A_133, %dot_general3A_134 {dimension_numbers = #tpu.dot_dimension_numbers<[1], [0], [0], [1], [0, 0, 1, 1], [], []>, transpose_lhs_hint = false} : vector<64x32xf32>, vector<32x512xf32>, vector<64x512xf32> -> vector<64x512xf32>
    %get3A_136 = arith.constant 0 : index
    %get3A_137 = arith.constant 0 : index
    %get3A_138 = vector.load %arg5[%get3A_136, %get3A_137] : memref<1x512xf32, #tpu.memory_space<vmem>>, vector<1x512xf32>
    %add3A_139 = vector.broadcast %get3A_138 : vector<1x512xf32> to vector<64x512xf32>
    %add3A_140 = arith.addf %dot_general3A_135, %add3A_139 : vector<64x512xf32>
    %max3A_141 = arith.constant 0.000000e+00 : f32
    %max3A_142 = vector.broadcast %max3A_141 : f32 to vector<64x512xf32>
    %max3A_143 = arith.maximumf %add3A_140, %max3A_142 : vector<64x512xf32>
    %get3A_144 = arith.constant 0 : index
    %get3A_145 = arith.constant 0 : index
    %get3A_146 = vector.load %arg6[%get3A_144, %get3A_145] : memref<512x10xf32, #tpu.memory_space<vmem>>, vector<512x10xf32>
    %dot_general3A_147 = arith.constant dense<0.000000e+00> : vector<64x10xf32>
    %dot_general3A_148 = tpu.matmul %max3A_143, %get3A_146, %dot_general3A_147 {dimension_numbers = #tpu.dot_dimension_numbers<[1], [0], [0], [1], [0, 0, 1, 1], [], []>, transpose_lhs_hint = false} : vector<64x512xf32>, vector<512x10xf32>, vector<64x10xf32> -> vector<64x10xf32>
    %get3A_149 = arith.constant 0 : index
    %get3A_150 = arith.constant 0 : index
    %get3A_151 = vector.load %arg7[%get3A_149, %get3A_150] : memref<1x10xf32, #tpu.memory_space<vmem>>, vector<1x10xf32>
    %add3A_152 = vector.broadcast %get3A_151 : vector<1x10xf32> to vector<64x10xf32>
    %add3A_153 = arith.addf %dot_general3A_148, %add3A_152 : vector<64x10xf32>
    %reduce_max3A = arith.constant dense<0xFF800000> : vector<64xf32>
    %reduce_max3A_154 = vector.multi_reduction <maximumf>, %add3A_153, %reduce_max3A [1] : vector<64x10xf32> to vector<64xf32>
    %broadcast_in_dim3A_155 = vector.shape_cast %reduce_max3A_154 : vector<64xf32> to vector<64x1xf32>
    %sub3A = vector.broadcast %broadcast_in_dim3A_155 : vector<64x1xf32> to vector<64x10xf32>
    %sub3A_156 = arith.subf %add3A_153, %sub3A : vector<64x10xf32>
    %exp3A = math.exp %sub3A_156 : vector<64x10xf32>
    %reduce_sum3A_157 = arith.constant dense<0.000000e+00> : vector<64xf32>
    %reduce_sum3A_158 = vector.multi_reduction <add>, %exp3A, %reduce_sum3A_157 [1] : vector<64x10xf32> to vector<64xf32>
    %broadcast_in_dim3A_159 = vector.shape_cast %reduce_sum3A_158 : vector<64xf32> to vector<64x1xf32>
    %div3A_160 = vector.broadcast %broadcast_in_dim3A_159 : vector<64x1xf32> to vector<64x10xf32>
    %div3A_161 = arith.divf %exp3A, %div3A_160 : vector<64x10xf32>
    %swap3A = arith.constant 0 : index
    %swap3A_162 = arith.constant 0 : index
    %swap3A_163 = vector.load %arg8[%swap3A, %swap3A_162] : memref<64x10xf32, #tpu.memory_space<vmem>>, vector<64x10xf32>
    tpu.vector_store %arg8[%swap3A, %swap3A_162], %div3A_161 {strides = array<i32>} : memref<64x10xf32, #tpu.memory_space<vmem>>, vector<64x10xf32>,
    return
  }
}

</mosaic_0001>

<sc_bundles>
// kernel: kernel.10.cloned.1.call-start
scs
__scs_entry_jumppad:
0x0: {  	(pc) =	sbr.rel $0x88, $3  }
0x1: {  	(tag) =	ssettag $0x0;
	lr =	simm.s32 $0x1  }
0x2: {  	[smem:$0x3F98] =	sst lr;
	_ =	strace $0xD0000000  }
0x3: {  	_ = 	snop  }
0x4: {  	_ = 	snop  }
0x5: {  	_ = 	snop  }
0x6: {  	_ = 	snop  }
0x7: {  	_ = 	snop  }
__scs_overlays_trampoline_lowered:
0x8: {  	[smem:$0x3FA7] =	sst s0  }
0x9: {  	[smem:$0x3FA8] =	sst s1  }
0xa: {  	[smem:$0x3FA9] =	sst s2  }
0xb: {  	[smem:$0x3FAA] =	sst s3  }
0xc: {  	[smem:$0x3FAB] =	sst s4  }
0xd: {  	[smem:$0x3FAC] =	sst s5  }
0xe: {  	[smem:$0x3FAD] =	sst s6  }
0xf: {  	[smem:$0x3FAE] =	sst s7  }
0x10: {  	[smem:$0x3FAF] =	sst s8  }
0x11: {  	[smem:$0x3FB0] =	sst s9;
	s0 =	simm.s32 @!p0 $0x0  }
0x12: {  	s1 =	sld [smem:$0x3F96];
	s0 =	simm.s32 @p0 $0x1  }
0x13: {  	[smem:$0x3FB1] =	sst s0;
	s0 =	simm.s32 @!p1 $0x0  }
0x14: {  	s2 =	sld [smem:$0x3F95];
	s0 =	simm.s32 @p1 $0x1  }
0x15: {  	[smem:$0x3FB2] =	sst s0;
	s0 =	simm.s32 @!p2 $0x0  }
0x16: {  	s3 =	sld [smem:$0x3FDB];
	s0 =	simm.s32 @p2 $0x1  }
0x17: {  	s4 =	simm.s32 $0x1BF5;
	[smem:$0x3FB4] =	sst s0  }
0x18: {  	s0 =	sld [smem:$0x3F97];
	_ =	swait.ge [sflag:s4], $0x0  }
0x19: {  	s7 =	sld [smem:$0x3F98]  }
0x1a: {  	s8 =	sadd.s32 $0xFFFFE003, lr  }
0x1b: {  	s9 =	sadd.s32 $0xFFFFFEF7, lr;
	s5 =	simm.s32 $0xFFFFFFFF;
	p2 =	slt.u32 s8, $0xFFFFF086  }
0x1c: {  	p1 =	slt.u32 s9, $0xF7A;
	s5 =	simm.s32 @!p2 $0x0  }
0x1d: {  	s5 =	simm.s32 @p1 $0x1;
	p0 =	seq.s32 s7, s2  }
0x1e: {  	s7 =	smul.u32 @!p0 $0xF7A, s2;
	p2 =	seq.s32 @!p0 s5, $0x0  }
0x1f: {  	s9 =	smul.u32 $0xF7A, s1;
	s8 =	simm.s32 @!p0 $0x1BF5;
	p2 =	por !p2, p0  }
0x20: {  	[sflag:s8] =	ssyncset.s32 @!p0 $0xFFFFF086;
	s6 =	sadd.s32 @!p0 s3, s7;
	s7 =	simm.s32 @!p0 $0x108  }
0x21: {  	s3 =	sadd.s32 s3, s9;
	s6 =	sadd.s32 @!p0 $0x88, s6;
	s7 =	simm.s32 @p2 $0x1082  }
0x22: {  	[simem:s7], [sflag:s8] =	dma.local @!p0 [hbm:s6], $0xF7A  }
0x23: {  	s9 =	sor.u32 $0xD0000000, s2;
	s6 =	simm.s32 $0x108;
	_ =	swait.ge @!p0 [sflag:s8], $0x0  }
0x24: {  	s3 =	sadd.s32 $0x88, s3;
	s6 =	simm.s32 @!p1 $0x1082;
	[sflag:s4] =	ssyncset.s32 $0xFFFFF086  }
0x25: {  	[simem:s6], [sflag:s4] =	dma.local [hbm:s3], $0xF7A  }
0x26: {  	[smem:$0x3F98] =	sst s1;
	(tag) =	ssettag s2;
	_ =	strace s9  }
0x27: {  	s1 =	sld [smem:$0x3FA8]  }
0x28: {  	s2 =	sld [smem:$0x3FA9]  }
0x29: {  	s4 =	sld [smem:$0x3FAB]  }
0x2a: {  	p0 =	seq.s32 s5, $0x0;
	s5 =	sld [smem:$0x3FAC]  }
0x2b: {  	s6 =	sld [smem:$0x3FAD]  }
0x2c: {  	s7 =	sld [smem:$0x3FAE]  }
0x2d: {  	s3 =	simm.s32 $0x108;
	s8 =	sld [smem:$0x3FAF]  }
0x2e: {  	s3 =	simm.s32 @!p0 $0x1082;
	s9 =	sld [smem:$0x3FB0]  }
0x2f: {  	lr =	sadd.s32 s0, s3;
	s0 =	sld [smem:$0x3FA7]  }
0x30: {  	s3 =	sld [smem:$0x3FAA]  }
0x31: {  	[smem:$0x3FB3] =	sst s10  }
0x32: {  	s10 =	sld [smem:$0x3FB1];
	_ =	sdelay $0x3  }
0x33: {  	p0 =	seq.s32 s10, $0x1;
	s10 =	sld [smem:$0x3FB3];
	_ =	sdelay $0x3  }
0x34: {  	[smem:$0x3FB3] =	sst s10  }
0x35: {  	s10 =	sld [smem:$0x3FB2];
	_ =	sdelay $0x3  }
0x36: {  	p1 =	seq.s32 s10, $0x1;
	s10 =	sld [smem:$0x3FB3];
	_ =	sdelay $0x3  }
0x37: {  	[smem:$0x3FB3] =	sst s10  }
0x38: {  	s10 =	sld [smem:$0x3FB4]  }
0x39: {  	_ = 	snop;
	(pc) =	sbr.ind lr, $3  }
0x3a: {  	_ = 	snop  }
0x3b: {  	_ = 	snop  }
0x3c: {  	p2 =	seq.s32 s10, $0x1;
	s10 =	sld [smem:$0x3FB3]  }
0x3d: {  	_ =	shalt  }
0x3e: {  	_ =	shalt  }
0x3f: {  	_ =	shalt  }
0x40: {  	_ =	shalt  }
0x41: {  	_ =	shalt  }
0x42: {  	_ =	shalt  }
0x43: {  	_ =	shalt  }
0x44: {  	_ =	shalt  }
0x45: {  	_ =	shalt  }
0x46: {  	_ =	shalt  }
0x47: {  	_ =	shalt  }
0x48: {  	_ =	shalt  }
0x49: {  	_ =	shalt  }
0x4a: {  	_ =	shalt  }
0x4b: {  	_ =	shalt  }
0x4c: {  	_ =	shalt  }
0x4d: {  	_ =	shalt  }
0x4e: {  	_ =	shalt  }
0x4f: {  	_ =	shalt  }
0x50: {  	_ =	shalt  }
0x51: {  	_ =	shalt  }
0x52: {  	_ =	shalt  }
0x53: {  	_ =	shalt  }
0x54: {  	_ =	shalt  }
0x55: {  	_ =	shalt  }
0x56: {  	_ =	shalt  }
0x57: {  	_ =	shalt  }
0x58: {  	_ =	shalt  }
0x59: {  	_ =	shalt  }
0x5a: {  	_ =	shalt  }
0x5b: {  	_ =	shalt  }
0x5c: {  	_ =	shalt  }
0x5d: {  	_ =	shalt  }
0x5e: {  	_ =	shalt  }
0x5f: {  	_ =	shalt  }
0x60: {  	_ =	shalt  }
0x61: {  	_ =	shalt  }
0x62: {  	_ =	shalt  }
0x63: {  	_ =	shalt  }
0x64: {  	_ =	shalt  }
0x65: {  	_ =	shalt  }
0x66: {  	_ =	shalt  }
0x67: {  	_ =	shalt  }
0x68: {  	_ =	shalt  }
0x69: {  	_ =	shalt  }
0x6a: {  	_ =	shalt  }
0x6b: {  	_ =	shalt  }
0x6c: {  	_ =	shalt  }
0x6d: {  	_ =	shalt  }
0x6e: {  	_ =	shalt  }
0x6f: {  	_ =	shalt  }
0x70: {  	_ =	shalt  }
0x71: {  	_ =	shalt  }
0x72: {  	_ =	shalt  }
0x73: {  	_ =	shalt  }
0x74: {  	_ =	shalt  }
0x75: {  	_ =	shalt  }
0x76: {  	_ =	shalt  }
0x77: {  	_ =	shalt  }
0x78: {  	_ =	shalt  }
0x79: {  	_ =	shalt  }
0x7a: {  	_ =	shalt  }
0x7b: {  	_ =	shalt  }
0x7c: {  	_ =	shalt  }
0x7d: {  	_ =	shalt  }
0x7e: {  	_ =	shalt  }
0x7f: {  	_ =	shalt  }
0x80: {  	_ =	shalt  }
0x81: {  	_ =	shalt  }
0x82: {  	_ =	shalt  }
0x83: {  	_ =	shalt  }
0x84: {  	_ =	shalt  }
0x85: {  	_ =	shalt  }
0x86: {  	_ =	shalt  }
0x87: {  	_ =	shalt  }
.Lfunc_end0:
.L_simem_size_0:
called_computation.1_lowered:
.L_overlay_start_0:
0x88: {  	s2 =	sld [smem:$0x3FD9]  }
0x89: {  	s3 =	sld [smem:$0x3FFE];
	_ =	sdelay $0x1  }
0x8a: {  	s1 =	srdreg.scid  }
0x8b: {  	s0 =	sand.u32 $0x1, s1  }
0x8c: {  	s16 =	sshll.u32 s0, $0xA;
	s2 =	sadd.s32 s3, s2  }
0x8d: {  	s2 =	sadd.s32 s2, s16  }
0x8e: {  	[smem:$0x3FBF] =	sst s2  }
0x8f: {  	_ = 	snop  }
0x90: {  	(tm) =	ssettm $0x1  }
0x91: {  	s17 =	sld [smem:$0x3FFB];
	_ =	sdelay $0x3  }
0x92: {  	_ =	strace s17  }
0x93: {  	s2 =	sld [smem:$0x3FFC];
	_ =	sdelay $0x3  }
0x94: {  	_ =	strace s2  }
0x95: {  	s2 =	sld [smem:$0x3FFD];
	_ =	sdelay $0x3  }
0x96: {  	_ =	strace s2  }
0x97: {  	_ =	strace $0x8FFFFFFF  }
0x98: {  	s18 =	sld [smem:$0x3FDB];
	_ =	sdelay $0x1  }
0x99: {  	s19 =	simm.s32 $_scs_section_size  }
0x9a: {  	s4 =	simm.s32 $_size__tile_overlayer_lowered;
	s5 =	simm.s32 $_tile_overlayer_lowered  }
0x9b: {  	s22 =	simm.s32 $0x1BFF;
	s21 =	sshll.u32 s5, $0x1;
	s2 =	sadd.s32 s19, s18  }
0x9c: {  	s6 =	simm.s32 $0x0;
	s20 =	sshll.u32 s4, $0x1;
	s4 =	sadd.s32 s21, s2  }
0x9d: {  	[timem:s6], [sflag:s22] =	dma.local [hbm:s4], s20  }
0x9e: {  	_ =	swait.ge [sflag:s22], s20  }
0x9f: {  	s3 =	ssub.s32 $0x0, s20;
	[sflag:s22] =	ssyncset.done $0x0  }
0xa0: {  	[sflag:s22] =	ssyncadd.s32 s3;
	_ =	sdelay $0x1  }
0xa1: {  	s23 =	simm.s32 $0x1B8B  }
0xa2: {  	_ =	swait.ge [sflag:s23], $0x1  }
0xa3: {  	[sflag:s23] =	ssyncset.done $0x0  }
0xa4: {  	s25 =	simm.s32 $0x1B8E;
	s24 =	sld [smem:$0x3FFE];
	[sflag:s23] =	ssyncadd.s32 $0xFFFFFFFF  }
0xa5: {  	s26 =	simm.s32 $execute0_lowered;
	[smem:$0x3FD2] =	sst s25  }
0xa6: {  	s4 =	sshll.u32 s26, $0x1;
	_ =	strace $0x80000049;
	[dreg:$0x1] =	wrdreg $0xFFFFFFFF  }
0xa7: {  	s28 =	simm.s32 $_size_execute0_lowered;
	s2 =	sadd.s32 s2, s4;
	[dreg:$0x0] =	wrdreg $0x0  }
0xa8: {  	s4 =	sshll.u32 s28, $0x1;
	[dreg:$0x2] =	wrdreg s2  }
0xa9: {  	[dreg:$0x3] =	wrdreg s4  }
0xaa: {  	[dreg:$0x4] =	wrdreg $0xC0  }
0xab: {  	_ =	task [dreg:s6], $0x5FFFF  }
0xac: {  	[dreg:$0x1] =	wrdreg $0xFFFFFFFF  }
0xad: {  	[dreg:$0x0] =	wrdreg $0x60  }
0xae: {  	[dreg:$0x2] =	wrdreg s24  }
0xaf: {  	[dreg:$0x3] =	wrdreg $0x120000  }
0xb0: {  	[dreg:$0x4] =	wrdreg $0x9  }
0xb1: {  	_ =	task.clear_ibuf [dreg:s6], $0x5FFFF;
	_ =	strace $0x90000049  }
0xb2: {  	s29 =	simm.s32 $0x9;
	_ =	strace $0x8000004B  }
0xb3: {  	_ =	swait.ge [sflag:s29], $0x1  }
0xb4: {  	[sflag:s29] =	ssyncadd.s32 $0xFFFFFFFF  }
0xb5: {  	_ =	strace $0x9000004B  }
0xb6: {  	_ =	sfence  }
0xb7: {  	s30 =	sld [smem:$0x0];
	_ =	sdelay $0x2  }
0xb8: {  	s31 =	sshll.u32 s1, $0xD;
	s1 =	sshrl.u32 s1, $0x2  }
0xb9: {  	s3 =	sand.u32 $0x4000, s31;
	s1 =	sadd.s32 s1, s30  }
0xba: {  	s0 =	sor.u32 s3, s0;
	s1 =	sshll.u32 s1, $0x11  }
0xbb: {  	s0 =	sor.u32 s1, s0  }
0xbc: {  	s0 =	sadd.s32 $0x8F2B, s0  }
0xbd: {  	[sflag:s0] =	ssyncadd.remote.s32 $0x1  }
0xbe: {  	_ =	sfence.sel $0xFFFF  }
0xbf: {  	[dreg:$0x0] =	wrdreg $0xFFFFFFFF;
	(pc) =	sbr.abs _section_cstart, $3  }
0xc0: {  	[dreg:$0x1] =	wrdreg $0xFFFFFFFF  }
0xc1: {  	_ =	task.clear_ibuf [dreg:s6], $0x2FFFF;
	_ =	strace $0x9FFFFFFF  }
0xc2: {  	(tm) =	ssettm $0x7FFFFFFF  }
0xc3: {  	_ =	shalt  }
tec
execute0_lowered:
.L_overlay_start_1:
0x0: {  	(tag) =	ssettag $0x1  }
0x1: {  	s0 =	srdreg.scid  }
0x2: {  	s4 =	stileid.u32;
	s3 =	rddreg [dreg:$0x0]  }
0x3: {  	s2 =	rddreg [dreg:$0x1];
	s6 =	simm.s32 $0x0;
	s13 =	simm.s32 $0x80  }
0x4: {  	s10 =	simm.s32 $0x5000;
	s17 =	simm.s32 $0x7000;
	s21 =	simm.s32 $0x9000  }
0x5: {  	s28 =	simm.s32 $0x1;
	s29 =	simm.s32 $0x3;
	s0 =	sand.u32 $0x1, s0  }
0x6: {  	s30 =	simm.s32 $0x5;
	s5 =	smul.u32 $0x5000, s4;
	s1 =	sshll.u32 s0, $0x4  }
0x7: {  	[smem:$0x7FF] =	sst s6;
	s23 =	smul.u32 $0x50000, s0;
	s1 =	sor.u32 s4, s1  }
0x8: {  	_ =	strace $0x8000004A;
	s0 =	ssub.s32 $0x2, s0;
	s1 =	smul.u32 $0x2800, s1  }
0x9: {  	s7 =	sshrl.u32 s0, $0x1;
	s6 =	sadd.s32 s5, s2;
	s4 =	sadd.s32 s5, s23  }
0xa: {  	s0 =	ssub.s32 s0, s7;
	[dreg:$0x5] =	wrdreg s6;
	s1 =	sshrl.u32 s1, $0x3  }
0xb: {  	s24 =	sshrl.u32 s4, $0x3;
	s0 =	smax.u32 s0, $0x1;
	s1 =	sadd.s32 s1, s3  }
0xc: {  	s4 =	sadd.s32 $0x16400, s3;
	[dreg:$0x7] =	wrdreg s0;
	s25 =	sadd.s32 $0x2400, s1  }
0xd: {  	s3 =	sadd.s32 s24, s3;
	s1 =	sadd.s32 $0xC400, s1;
	[dreg:$0x3] =	wrdreg s25  }
0xe: {  	s31 =	simm.s32 $0x7;
	s26 =	sadd.s32 $0x20400, s3;
	[dreg:$0x4] =	wrdreg s1  }
0xf: {  	s7 =	simm.s32 $0x11;
	s3 =	simm.s32 $0x0;
	[dreg:$0x6] =	wrdreg s26  }
0x10: {  	v0 =	vimm.f32 $0.0e+00;
	s25 =	simm.s32 $0xB000;
	s26 =	simm.s32 $0xC000;
	s1 =	simm.s32 $0x8  }
.LBB2_1:
0x11: {  	[dreg:$0x8] =	wrdreg s3  }
0x12: {  	s0 =	simm.s32 $0x0;
	s23 =	rddreg [dreg:$0x3]  }
0x13: {  	[tilespmem:s0], [sflag:$0x11] =	stream.linear.gather [hbm4b:s23+s0], $0x2800, $0x38;
	[tilespmem:$0x17000] =	vst v63  }
0x14: {  	_ =	swait.ge [sflag:s7], $0x2800  }
0x15: {  	[sflag:s7] =	ssyncset.done $0x0  }
0x16: {  	s5 =	simm.s32 $0x2800;
	s24 =	rddreg [dreg:$0x4];
	[sflag:s7] =	ssyncadd.s32 $0xFFFFD800  }
0x17: {  	[tilespmem:s5], [sflag:$0x11] =	stream.linear.gather [hbm4b:s24+s0], $0x2800, $0x38;
	[tilespmem:$0x17000] =	vst v63  }
0x18: {  	_ =	swait.ge [sflag:s7], $0x2800  }
0x19: {  	[sflag:s7] =	ssyncset.done $0x0  }
0x1a: {  	s3 =	simm.s32 $0x0;
	s0 =	simm.s32 $0x80;
	[sflag:s7] =	ssyncadd.s32 $0xFFFFD800  }
.LBB2_2:
0x1b: {  	p0 =	sne.s32 s0, $0x13F80;
	[tilespmem:s3+$0xD000] =	vst v0;
	s5 =	smov.u32 s0;
	s0 =	sadd.s32 $0x80, s0  }
.Ltmp0:
0x1c: {  	[tilespmem:s3+$0xD010] =	vst v0;
	(pc) =	sbr.rel @p0 .LBB2_2-.Ltmp0, $2  }
0x1d: {  	_ =	sdelay $0x2  }
0x1e: {  	s3 =	sshra.s32 s5, $0x2  }
0x1f: {  	[tilespmem:s3+$0xD000] =	vst v0  }
0x20: {  	[tilespmem:s3+$0xD010] =	vst v0;
	s0 =	simm.s32 $0xD000  }
0x21: {  	[spmem:s6] =	stream.linear.scatter [tilespmem:s0], [sflag:$0x11], $0x5000, $0x38;
	[tilespmem:$0x17000] =	vst v63  }
0x22: {  	_ =	swait.ge [sflag:s7], $0x5000  }
0x23: {  	[sflag:s7] =	ssyncset.done $0x0  }
0x24: {  	[sflag:s7] =	ssyncadd.s32 $0xFFFFB000  }
0x25: {  	s7 =	simm.s32 $0x0;
	[bflag:$0x0] =	sbarrier.arrive $0xFFFF  }
0x26: {  	[tilespmem:s10], [sflag:$0x1] =	stream.indirect.gather [hbm4b:s4+s13], $0x20, s7, s13, $0xb8;
	[tilespmem:$0x17000] =	vst v63  }
0x27: {  	s8 =	simm.s32 $0x6000  }
0x28: {  	[tilespmem:s8], [sflag:$0x2] =	stream.indirect.gather [hbm4b:s4+s13], $0x20, s13, s13, $0xb8;
	[tilespmem:$0x17000] =	vst v63  }
0x29: {  	s9 =	simm.s32 $0x100  }
0x2a: {  	[tilespmem:s17], [sflag:$0x3] =	stream.indirect.gather [hbm4b:s4+s13], $0x20, s9, s13, $0xb8;
	[tilespmem:$0x17000] =	vst v63  }
0x2b: {  	s11 =	simm.s32 $0x180;
	s12 =	simm.s32 $0x8000  }
0x2c: {  	[tilespmem:s12], [sflag:$0x4] =	stream.indirect.gather [hbm4b:s4+s13], $0x20, s11, s13, $0xb8;
	[tilespmem:$0x17000] =	vst v63  }
0x2d: {  	s14 =	simm.s32 $0x200  }
0x2e: {  	[tilespmem:s21], [sflag:$0x5] =	stream.indirect.gather [hbm4b:s4+s13], $0x20, s14, s13, $0xb8;
	[tilespmem:$0x17000] =	vst v63  }
0x2f: {  	s15 =	simm.s32 $0x280;
	s16 =	simm.s32 $0xA000;
	p0 =	por $0x1, $0x1  }
0x30: {  	[tilespmem:s16], [sflag:$0x6] =	stream.indirect.gather [hbm4b:s4+s13], $0x20, s15, s13, $0xb8;
	[tilespmem:$0x17000] =	vst v63  }
0x31: {  	s18 =	simm.s32 $0x300;
	s0 =	simm.s32 @!p0 $0x10  }
0x32: {  	[tilespmem:s25], [sflag:$0x7] =	stream.indirect.gather [hbm4b:s4+s13], $0x20, s18, s13, $0xb8;
	[tilespmem:$0x17000] =	vst v63  }
0x33: {  	_ =	swait.ge @!p0 [sflag:s0], $0x1000  }
0x34: {  	[sflag:s0] =	ssyncset.done @!p0 $0x0  }
0x35: {  	s19 =	simm.s32 $0x380;
	[sflag:s0] =	ssyncadd.s32 @!p0 $0xFFFFF000  }
0x36: {  	[tilespmem:s26], [sflag:$0x8] =	stream.indirect.gather [hbm4b:s4+s13], $0x20, s19, s13, $0xb8;
	[tilespmem:$0x17000] =	vst v63  }
0x37: {  	_ =	swait.ge [sflag:s28], $0x1000  }
0x38: {  	p0 =	por $0x0, $0x0;
	[sflag:s28] =	ssyncset.done $0x0  }
0x39: {  	s20 =	simm.s32 $0x2800;
	s5 =	simm.s32 @p0 $0x2;
	[sflag:s28] =	ssyncadd.s32 $0xFFFFF000  }
0x3a: {  	[spmem:s2] =	stream.indirect.scatter.add.f32 [tilespmem:s10], [sflag:$0x9], $0x20, s20, s13, $0xb8;
	[tilespmem:$0x17000] =	vst v63  }
0x3b: {  	_ =	swait.ge @p0 [sflag:s5], $0x1000  }
0x3c: {  	s0 =	simm.s32 @p0 $0x2880;
	s3 =	simm.s32 @p0 $0x80;
	[sflag:s5] =	ssyncset.done @p0 $0x0  }
0x3d: {  	s6 =	simm.s32 @p0 $0x6000;
	[sflag:s5] =	ssyncadd.s32 @p0 $0xFFFFF000;
	s5 =	simm.s32 @!p0 $0x9  }
0x3e: {  	[spmem:s2] =	stream.indirect.scatter.add.f32 @p0 [tilespmem:s6], [sflag:$0xA], $0x20, s0, s3, $0xb8;
	[tilespmem:$0x17000] =	vst v63  }
0x3f: {  	_ =	swait.ge @!p0 [sflag:s5], $0x1000  }
0x40: {  	s6 =	simm.s32 @!p0 $0x400;
	[sflag:s5] =	ssyncset.done @!p0 $0x0  }
0x41: {  	s0 =	simm.s32 @!p0 $0x80;
	[sflag:s5] =	ssyncadd.s32 @!p0 $0xFFFFF000;
	s5 =	simm.s32 @!p0 $0x5000  }
0x42: {  	[tilespmem:s5], [sflag:$0x1] =	stream.indirect.gather @!p0 [hbm4b:s4+s0], $0x20, s6, s0, $0xb8;
	[tilespmem:$0x17000] =	vst v63  }
0x43: {  	s5 =	simm.s32 @!p0 $0x2  }
0x44: {  	_ =	swait.ge @!p0 [sflag:s5], $0x1000  }
0x45: {  	[sflag:s5] =	ssyncset.done @!p0 $0x0  }
0x46: {  	s6 =	simm.s32 @!p0 $0x2880;
	[sflag:s5] =	ssyncadd.s32 @!p0 $0xFFFFF000;
	s5 =	simm.s32 @!p0 $0x6000  }
0x47: {  	[spmem:s2] =	stream.indirect.scatter.add.f32 @!p0 [tilespmem:s5], [sflag:$0xA], $0x20, s6, s0, $0xb8;
	[tilespmem:$0x17000] =	vst v63  }
0x48: {  	s6 =	simm.s32 @!p0 $0xA  }
0x49: {  	_ =	swait.ge @!p0 [sflag:s6], $0x1000  }
0x4a: {  	[sflag:s6] =	ssyncset.done @!p0 $0x0  }
0x4b: {  	[sflag:s6] =	ssyncadd.s32 @!p0 $0xFFFFF000;
	s6 =	simm.s32 @!p0 $0x480  }
0x4c: {  	[tilespmem:s5], [sflag:$0x2] =	stream.indirect.gather @!p0 [hbm4b:s4+s0], $0x20, s6, s0, $0xb8;
	[tilespmem:$0x17000] =	vst v63  }
0x4d: {  	_ =	swait.ge [sflag:s29], $0x1000  }
0x4e: {  	[sflag:s29] =	ssyncset.done $0x0  }
0x4f: {  	s22 =	simm.s32 $0x2900;
	s6 =	simm.s32 @p0 $0x4;
	[sflag:s29] =	ssyncadd.s32 $0xFFFFF000  }
0x50: {  	[spmem:s2] =	stream.indirect.scatter.add.f32 [tilespmem:s17], [sflag:$0xB], $0x20, s22, s13, $0xb8;
	[tilespmem:$0x17000] =	vst v63  }
0x51: {  	_ =	swait.ge @p0 [sflag:s6], $0x1000  }
0x52: {  	[sflag:s6] =	ssyncset.done @p0 $0x0  }
0x53: {  	s5 =	simm.s32 @p0 $0x2980;
	[sflag:s6] =	ssyncadd.s32 @p0 $0xFFFFF000;
	s6 =	simm.s32 @p0 $0x8000  }
0x54: {  	[spmem:s2] =	stream.indirect.scatter.add.f32 @p0 [tilespmem:s6], [sflag:$0xC], $0x20, s5, s3, $0xb8;
	[tilespmem:$0x17000] =	vst v63  }
0x55: {  	s5 =	simm.s32 @!p0 $0xB  }
0x56: {  	_ =	swait.ge @!p0 [sflag:s5], $0x1000  }
0x57: {  	[sflag:s5] =	ssyncset.done @!p0 $0x0  }
0x58: {  	s6 =	simm.s32 @!p0 $0x500;
	[sflag:s5] =	ssyncadd.s32 @!p0 $0xFFFFF000;
	s5 =	simm.s32 @!p0 $0x7000  }
0x59: {  	[tilespmem:s5], [sflag:$0x3] =	stream.indirect.gather @!p0 [hbm4b:s4+s0], $0x20, s6, s0, $0xb8;
	[tilespmem:$0x17000] =	vst v63  }
0x5a: {  	s5 =	simm.s32 @!p0 $0x4  }
0x5b: {  	_ =	swait.ge @!p0 [sflag:s5], $0x1000  }
0x5c: {  	[sflag:s5] =	ssyncset.done @!p0 $0x0  }
0x5d: {  	s6 =	simm.s32 @!p0 $0x2980;
	[sflag:s5] =	ssyncadd.s32 @!p0 $0xFFFFF000;
	s5 =	simm.s32 @!p0 $0x8000  }
0x5e: {  	[spmem:s2] =	stream.indirect.scatter.add.f32 @!p0 [tilespmem:s5], [sflag:$0xC], $0x20, s6, s0, $0xb8;
	[tilespmem:$0x17000] =	vst v63  }
0x5f: {  	s6 =	simm.s32 @!p0 $0xC  }
0x60: {  	_ =	swait.ge @!p0 [sflag:s6], $0x1000  }
0x61: {  	[sflag:s6] =	ssyncset.done @!p0 $0x0  }
0x62: {  	[sflag:s6] =	ssyncadd.s32 @!p0 $0xFFFFF000;
	s6 =	simm.s32 @!p0 $0x580  }
0x63: {  	[tilespmem:s5], [sflag:$0x4] =	stream.indirect.gather @!p0 [hbm4b:s4+s0], $0x20, s6, s0, $0xb8;
	[tilespmem:$0x17000] =	vst v63  }
0x64: {  	_ =	swait.ge [sflag:s30], $0x1000  }
0x65: {  	[sflag:s30] =	ssyncset.done $0x0  }
0x66: {  	s23 =	simm.s32 $0x2A00;
	s6 =	simm.s32 @p0 $0x6;
	[sflag:s30] =	ssyncadd.s32 $0xFFFFF000  }
0x67: {  	[spmem:s2] =	stream.indirect.scatter.add.f32 [tilespmem:s21], [sflag:$0xD], $0x20, s23, s13, $0xb8;
	[tilespmem:$0x17000] =	vst v63  }
0x68: {  	_ =	swait.ge @p0 [sflag:s6], $0x1000  }
0x69: {  	[sflag:s6] =	ssyncset.done @p0 $0x0  }
0x6a: {  	s5 =	simm.s32 @p0 $0x2A80;
	[sflag:s6] =	ssyncadd.s32 @p0 $0xFFFFF000;
	s6 =	simm.s32 @p0 $0xA000  }
0x6b: {  	[spmem:s2] =	stream.indirect.scatter.add.f32 @p0 [tilespmem:s6], [sflag:$0xE], $0x20, s5, s3, $0xb8;
	[tilespmem:$0x17000] =	vst v63  }
0x6c: {  	s3 =	simm.s32 @!p0 $0xD  }
0x6d: {  	_ =	swait.ge @!p0 [sflag:s3], $0x1000  }
0x6e: {  	[sflag:s3] =	ssyncset.done @!p0 $0x0  }
0x6f: {  	s5 =	simm.s32 @!p0 $0x600;
	[sflag:s3] =	ssyncadd.s32 @!p0 $0xFFFFF000;
	s3 =	simm.s32 @!p0 $0x9000  }
0x70: {  	[tilespmem:s3], [sflag:$0x5] =	stream.indirect.gather @!p0 [hbm4b:s4+s0], $0x20, s5, s0, $0xb8;
	[tilespmem:$0x17000] =	vst v63  }
0x71: {  	s3 =	simm.s32 @!p0 $0x6  }
0x72: {  	_ =	swait.ge @!p0 [sflag:s3], $0x1000  }
0x73: {  	[sflag:s3] =	ssyncset.done @!p0 $0x0  }
0x74: {  	s5 =	simm.s32 @!p0 $0x2A80;
	[sflag:s3] =	ssyncadd.s32 @!p0 $0xFFFFF000;
	s3 =	simm.s32 @!p0 $0xA000  }
0x75: {  	[spmem:s2] =	stream.indirect.scatter.add.f32 @!p0 [tilespmem:s3], [sflag:$0xE], $0x20, s5, s0, $0xb8;
	[tilespmem:$0x17000] =	vst v63  }
0x76: {  	s5 =	simm.s32 @!p0 $0xE  }
0x77: {  	_ =	swait.ge @!p0 [sflag:s5], $0x1000  }
0x78: {  	[sflag:s5] =	ssyncset.done @!p0 $0x0  }
0x79: {  	[sflag:s5] =	ssyncadd.s32 @!p0 $0xFFFFF000;
	s5 =	simm.s32 @!p0 $0x680  }
0x7a: {  	[tilespmem:s3], [sflag:$0x6] =	stream.indirect.gather @!p0 [hbm4b:s4+s0], $0x20, s5, s0, $0xb8;
	[tilespmem:$0x17000] =	vst v63  }
0x7b: {  	_ =	swait.ge [sflag:s31], $0x1000  }
0x7c: {  	[sflag:s31] =	ssyncset.done $0x0  }
0x7d: {  	s24 =	simm.s32 $0x2B00;
	s5 =	simm.s32 @!p0 $0xF;
	[sflag:s31] =	ssyncadd.s32 $0xFFFFF000  }
0x7e: {  	[spmem:s2] =	stream.indirect.scatter.add.f32 [tilespmem:s25], [sflag:$0xF], $0x20, s24, s13, $0xb8;
	[tilespmem:$0x17000] =	vst v63  }
0x7f: {  	_ =	swait.ge @!p0 [sflag:s5], $0x1000  }
0x80: {  	p1 =	por $0x0, $0x0;
	s3 =	simm.s32 @!p0 $0x700;
	[sflag:s5] =	ssyncset.done @!p0 $0x0  }
0x81: {  	s24 =	simm.s32 $0x2000;
	[sflag:s5] =	ssyncadd.s32 @!p0 $0xFFFFF000;
	s5 =	simm.s32 @!p0 $0xB000  }
0x82: {  	[tilespmem:s5], [sflag:$0x7] =	stream.indirect.gather @!p0 [hbm4b:s4+s0], $0x20, s3, s0, $0xb8;
	[tilespmem:$0x17000] =	vst v63  }
0x83: {  	s3 =	simm.s32 $0x1000;
	s0 =	simm.s32 $0x2B80;
	_ =	swait.ge [sflag:s1], $0x1000  }
.LBB2_4:
0x84: {  	s6 =	simm.s32 @!p1 $0x10  }
0x85: {  	[sflag:s1] =	ssyncset.done $0x0;
	s18 =	smov.u32 s24;
	s24 =	sadd.s32 $0x1000, s24  }
0x86: {  	p0 =	sne.s32 s24, $0xA000;
	[sflag:s1] =	ssyncadd.s32 $0xFFFFF000  }
0x87: {  	[spmem:s2] =	stream.indirect.scatter.add.f32 [tilespmem:s26], [sflag:$0x10], $0x20, s0, s13, $0xb8;
	[tilespmem:$0x17000] =	vst v63  }
0x88: {  	s5 =	sshra.s32 s3, $0x2;
	_ =	swait.ge @!p1 [sflag:s6], $0x1000  }
0x89: {  	s8 =	sadd.s32 $0x380, s5;
	s0 =	sadd.s32 $0x2B80, s5;
	[sflag:s6] =	ssyncset.done @!p1 $0x0  }
0x8a: {  	[sflag:s6] =	ssyncadd.s32 @!p1 $0xFFFFF000  }
0x8b: {  	[tilespmem:s26], [sflag:$0x8] =	stream.indirect.gather [hbm4b:s4+s13], $0x20, s8, s13, $0xb8;
	[tilespmem:$0x17000] =	vst v63  }
0x8c: {  	_ =	swait.ge [sflag:s28], $0x1000  }
0x8d: {  	s6 =	sadd.s32 $0x2800, s5;
	p1 =	seq.s32 s3, $0x9000;
	[sflag:s28] =	ssyncset.done $0x0  }
0x8e: {  	s8 =	simm.s32 @p1 $0x2;
	s11 =	sshra.s32 @p1 s3, $0x2;
	[sflag:s28] =	ssyncadd.s32 $0xFFFFF000  }
0x8f: {  	[spmem:s2] =	stream.indirect.scatter.add.f32 [tilespmem:s10], [sflag:$0x9], $0x20, s6, s13, $0xb8;
	[tilespmem:$0x17000] =	vst v63  }
0x90: {  	s3 =	sshra.s32 @!p1 s3, $0x2;
	s6 =	sadd.s32 @p1 $0x2880, s11;
	_ =	swait.ge @p1 [sflag:s8], $0x1000  }
0x91: {  	s9 =	simm.s32 @p1 $0x80;
	s12 =	simm.s32 @p1 $0x6000;
	[sflag:s8] =	ssyncset.done @p1 $0x0  }
0x92: {  	s15 =	sadd.s32 @!p1 $0x400, s3;
	[sflag:s8] =	ssyncadd.s32 @p1 $0xFFFFF000;
	s8 =	simm.s32 @!p1 $0x9  }
0x93: {  	[spmem:s2] =	stream.indirect.scatter.add.f32 @p1 [tilespmem:s12], [sflag:$0xA], $0x20, s6, s9, $0xb8;
	[tilespmem:$0x17000] =	vst v63  }
0x94: {  	s22 =	sadd.s32 @!p1 $0x480, s3;
	s12 =	sadd.s32 @!p1 $0x2880, s3;
	_ =	swait.ge @!p1 [sflag:s8], $0x1000  }
0x95: {  	s16 =	simm.s32 @!p1 $0x5000;
	s6 =	simm.s32 @!p1 $0x80;
	[sflag:s8] =	ssyncset.done @!p1 $0x0  }
0x96: {  	s7 =	sadd.s32 @p1 $0x2980, s11;
	[sflag:s8] =	ssyncadd.s32 @!p1 $0xFFFFF000;
	s8 =	simm.s32 @!p1 $0x2  }
0x97: {  	[tilespmem:s16], [sflag:$0x1] =	stream.indirect.gather @!p1 [hbm4b:s4+s6], $0x20, s15, s6, $0xb8;
	[tilespmem:$0x17000] =	vst v63  }
0x98: {  	s20 =	sadd.s32 @!p1 $0x2980, s3;
	s10 =	sadd.s32 @!p1 $0x500, s3;
	_ =	swait.ge @!p1 [sflag:s8], $0x1000  }
0x99: {  	s23 =	simm.s32 @!p1 $0x6000;
	s19 =	sadd.s32 @!p1 $0x580, s3;
	[sflag:s8] =	ssyncset.done @!p1 $0x0  }
0x9a: {  	s14 =	simm.s32 @!p1 $0xA;
	s16 =	sadd.s32 @p1 $0x2A80, s11;
	[sflag:s8] =	ssyncadd.s32 @!p1 $0xFFFFF000  }
0x9b: {  	[spmem:s2] =	stream.indirect.scatter.add.f32 @!p1 [tilespmem:s23], [sflag:$0xA], $0x20, s12, s6, $0xb8;
	[tilespmem:$0x17000] =	vst v63  }
0x9c: {  	s15 =	sadd.s32 @!p1 $0x600, s3;
	s12 =	sadd.s32 @!p1 $0x2A80, s3;
	_ =	swait.ge @!p1 [sflag:s14], $0x1000  }
0x9d: {  	s11 =	sadd.s32 @!p1 $0x680, s3;
	s8 =	sadd.s32 @!p1 $0x700, s3;
	[sflag:s14] =	ssyncset.done @!p1 $0x0  }
0x9e: {  	s3 =	smov.u32 s18;
	[sflag:s14] =	ssyncadd.s32 @!p1 $0xFFFFF000  }
0x9f: {  	[tilespmem:s23], [sflag:$0x2] =	stream.indirect.gather @!p1 [hbm4b:s4+s6], $0x20, s22, s6, $0xb8;
	[tilespmem:$0x17000] =	vst v63  }
0xa0: {  	_ =	swait.ge [sflag:s29], $0x1000  }
0xa1: {  	s14 =	sadd.s32 $0x2900, s5;
	[sflag:s29] =	ssyncset.done $0x0  }
0xa2: {  	s18 =	simm.s32 @p1 $0x4;
	[sflag:s29] =	ssyncadd.s32 $0xFFFFF000  }
0xa3: {  	[spmem:s2] =	stream.indirect.scatter.add.f32 [tilespmem:s17], [sflag:$0xB], $0x20, s14, s13, $0xb8;
	[tilespmem:$0x17000] =	vst v63  }
0xa4: {  	_ =	swait.ge @p1 [sflag:s18], $0x1000  }
0xa5: {  	s14 =	simm.s32 @p1 $0x8000;
	[sflag:s18] =	ssyncset.done @p1 $0x0  }
0xa6: {  	[sflag:s18] =	ssyncadd.s32 @p1 $0xFFFFF000;
	s18 =	simm.s32 @!p1 $0xB  }
0xa7: {  	[spmem:s2] =	stream.indirect.scatter.add.f32 @p1 [tilespmem:s14], [sflag:$0xC], $0x20, s7, s9, $0xb8;
	[tilespmem:$0x17000] =	vst v63  }
0xa8: {  	_ =	swait.ge @!p1 [sflag:s18], $0x1000  }
0xa9: {  	s7 =	simm.s32 @!p1 $0x7000;
	[sflag:s18] =	ssyncset.done @!p1 $0x0  }
0xaa: {  	s14 =	simm.s32 @!p1 $0x4;
	[sflag:s18] =	ssyncadd.s32 @!p1 $0xFFFFF000  }
0xab: {  	[tilespmem:s7], [sflag:$0x3] =	stream.indirect.gather @!p1 [hbm4b:s4+s6], $0x20, s10, s6, $0xb8;
	[tilespmem:$0x17000] =	vst v63  }
0xac: {  	_ =	swait.ge @!p1 [sflag:s14], $0x1000  }
0xad: {  	s7 =	simm.s32 @!p1 $0x8000;
	[sflag:s14] =	ssyncset.done @!p1 $0x0  }
0xae: {  	s10 =	simm.s32 @!p1 $0xC;
	[sflag:s14] =	ssyncadd.s32 @!p1 $0xFFFFF000  }
0xaf: {  	[spmem:s2] =	stream.indirect.scatter.add.f32 @!p1 [tilespmem:s7], [sflag:$0xC], $0x20, s20, s6, $0xb8;
	[tilespmem:$0x17000] =	vst v63  }
0xb0: {  	_ =	swait.ge @!p1 [sflag:s10], $0x1000  }
0xb1: {  	[sflag:s10] =	ssyncset.done @!p1 $0x0  }
0xb2: {  	[sflag:s10] =	ssyncadd.s32 @!p1 $0xFFFFF000  }
0xb3: {  	[tilespmem:s7], [sflag:$0x4] =	stream.indirect.gather @!p1 [hbm4b:s4+s6], $0x20, s19, s6, $0xb8;
	[tilespmem:$0x17000] =	vst v63  }
0xb4: {  	_ =	swait.ge [sflag:s30], $0x1000  }
0xb5: {  	s7 =	sadd.s32 $0x2A00, s5;
	[sflag:s30] =	ssyncset.done $0x0  }
0xb6: {  	s10 =	simm.s32 @p1 $0x6;
	[sflag:s30] =	ssyncadd.s32 $0xFFFFF000  }
0xb7: {  	[spmem:s2] =	stream.indirect.scatter.add.f32 [tilespmem:s21], [sflag:$0xD], $0x20, s7, s13, $0xb8;
	[tilespmem:$0x17000] =	vst v63  }
0xb8: {  	_ =	swait.ge @p1 [sflag:s10], $0x1000  }
0xb9: {  	s7 =	simm.s32 @p1 $0xA000;
	[sflag:s10] =	ssyncset.done @p1 $0x0  }
0xba: {  	[sflag:s10] =	ssyncadd.s32 @p1 $0xFFFFF000;
	s10 =	simm.s32 @!p1 $0xD  }
0xbb: {  	[spmem:s2] =	stream.indirect.scatter.add.f32 @p1 [tilespmem:s7], [sflag:$0xE], $0x20, s16, s9, $0xb8;
	[tilespmem:$0x17000] =	vst v63  }
0xbc: {  	_ =	swait.ge @!p1 [sflag:s10], $0x1000  }
0xbd: {  	s7 =	simm.s32 @!p1 $0x9000;
	[sflag:s10] =	ssyncset.done @!p1 $0x0  }
0xbe: {  	s9 =	simm.s32 @!p1 $0x6;
	[sflag:s10] =	ssyncadd.s32 @!p1 $0xFFFFF000;
	s10 =	simm.s32 $0x5000  }
0xbf: {  	[tilespmem:s7], [sflag:$0x5] =	stream.indirect.gather @!p1 [hbm4b:s4+s6], $0x20, s15, s6, $0xb8;
	[tilespmem:$0x17000] =	vst v63  }
0xc0: {  	_ =	swait.ge @!p1 [sflag:s9], $0x1000  }
0xc1: {  	s7 =	simm.s32 @!p1 $0xA000;
	[sflag:s9] =	ssyncset.done @!p1 $0x0  }
0xc2: {  	[sflag:s9] =	ssyncadd.s32 @!p1 $0xFFFFF000;
	s9 =	simm.s32 @!p1 $0xE  }
0xc3: {  	[spmem:s2] =	stream.indirect.scatter.add.f32 @!p1 [tilespmem:s7], [sflag:$0xE], $0x20, s12, s6, $0xb8;
	[tilespmem:$0x17000] =	vst v63  }
0xc4: {  	_ =	swait.ge @!p1 [sflag:s9], $0x1000  }
0xc5: {  	[sflag:s9] =	ssyncset.done @!p1 $0x0  }
0xc6: {  	[sflag:s9] =	ssyncadd.s32 @!p1 $0xFFFFF000  }
0xc7: {  	[tilespmem:s7], [sflag:$0x6] =	stream.indirect.gather @!p1 [hbm4b:s4+s6], $0x20, s11, s6, $0xb8;
	[tilespmem:$0x17000] =	vst v63  }
0xc8: {  	_ =	swait.ge [sflag:s31], $0x1000  }
0xc9: {  	s5 =	sadd.s32 $0x2B00, s5;
	[sflag:s31] =	ssyncset.done $0x0  }
0xca: {  	s7 =	simm.s32 @!p1 $0xF;
	[sflag:s31] =	ssyncadd.s32 $0xFFFFF000  }
0xcb: {  	[spmem:s2] =	stream.indirect.scatter.add.f32 [tilespmem:s25], [sflag:$0xF], $0x20, s5, s13, $0xb8;
	[tilespmem:$0x17000] =	vst v63  }
.Ltmp1:
0xcc: {  	_ =	swait.ge @!p1 [sflag:s7], $0x1000;
	(pc) =	sbr.rel @p0 .LBB2_4-.Ltmp1, $4  }
0xcd: {  	s5 =	simm.s32 @!p1 $0xB000;
	[sflag:s7] =	ssyncset.done @!p1 $0x0  }
0xce: {  	[sflag:s7] =	ssyncadd.s32 @!p1 $0xFFFFF000  }
0xcf: {  	[tilespmem:s5], [sflag:$0x7] =	stream.indirect.gather @!p1 [hbm4b:s4+s6], $0x20, s8, s6, $0xb8;
	[tilespmem:$0x17000] =	vst v63  }
0xd0: {  	p1 =	seq.s32 s3, $0x0;
	_ =	swait.ge [sflag:s1], $0x1000  }
0xd1: {  	[sflag:s1] =	ssyncset.done $0x0  }
0xd2: {  	s5 =	simm.s32 @!p1 $0x10;
	[sflag:s1] =	ssyncadd.s32 $0xFFFFF000  }
0xd3: {  	[spmem:s2] =	stream.indirect.scatter.add.f32 [tilespmem:s26], [sflag:$0x10], $0x20, s0, s13, $0xb8;
	[tilespmem:$0x17000] =	vst v63  }
0xd4: {  	_ =	swait.ge @!p1 [sflag:s5], $0x1000  }
0xd5: {  	s20 =	sshra.s32 s3, $0x2;
	[sflag:s5] =	ssyncset.done @!p1 $0x0  }
0xd6: {  	s6 =	sadd.s32 $0x380, s20;
	[sflag:s5] =	ssyncadd.s32 @!p1 $0xFFFFF000  }
0xd7: {  	[tilespmem:s26], [sflag:$0x8] =	stream.indirect.gather [hbm4b:s4+s13], $0x20, s6, s13, $0xb8;
	[tilespmem:$0x17000] =	vst v63  }
0xd8: {  	_ =	swait.ge [sflag:s28], $0x1000  }
0xd9: {  	p0 =	seq.s32 s3, $0x9000;
	[sflag:s28] =	ssyncset.done $0x0  }
0xda: {  	s22 =	sadd.s32 $0x2800, s20;
	s7 =	simm.s32 @p0 $0x2;
	[sflag:s28] =	ssyncadd.s32 $0xFFFFF000  }
0xdb: {  	[spmem:s2] =	stream.indirect.scatter.add.f32 [tilespmem:s10], [sflag:$0x9], $0x20, s22, s13, $0xb8;
	[tilespmem:$0x17000] =	vst v63  }
0xdc: {  	s8 =	simm.s32 @p0 $0x80;
	_ =	swait.ge @p0 [sflag:s7], $0x1000  }
0xdd: {  	s9 =	simm.s32 @p0 $0x6000;
	s6 =	sshra.s32 @p0 s3, $0x2;
	[sflag:s7] =	ssyncset.done @p0 $0x0  }
0xde: {  	s5 =	sadd.s32 @p0 $0x2880, s6;
	[sflag:s7] =	ssyncadd.s32 @p0 $0xFFFFF000;
	s7 =	simm.s32 @!p0 $0x9  }
0xdf: {  	[spmem:s2] =	stream.indirect.scatter.add.f32 @p0 [tilespmem:s9], [sflag:$0xA], $0x20, s5, s8, $0xb8;
	[tilespmem:$0x17000] =	vst v63  }
0xe0: {  	s3 =	sshra.s32 @!p0 s3, $0x2;
	_ =	swait.ge @!p0 [sflag:s7], $0x1000  }
0xe1: {  	s9 =	sadd.s32 @!p0 $0x400, s3;
	[sflag:s7] =	ssyncset.done @!p0 $0x0  }
0xe2: {  	s5 =	simm.s32 @!p0 $0x80;
	[sflag:s7] =	ssyncadd.s32 @!p0 $0xFFFFF000;
	s7 =	simm.s32 @!p0 $0x5000  }
0xe3: {  	[tilespmem:s7], [sflag:$0x1] =	stream.indirect.gather @!p0 [hbm4b:s4+s5], $0x20, s9, s5, $0xb8;
	[tilespmem:$0x17000] =	vst v63  }
0xe4: {  	s7 =	simm.s32 @!p0 $0x2  }
0xe5: {  	_ =	swait.ge @!p0 [sflag:s7], $0x1000  }
0xe6: {  	[sflag:s7] =	ssyncset.done @!p0 $0x0  }
0xe7: {  	s9 =	sadd.s32 @!p0 $0x2880, s3;
	[sflag:s7] =	ssyncadd.s32 @!p0 $0xFFFFF000;
	s7 =	simm.s32 @!p0 $0x6000  }
0xe8: {  	[spmem:s2] =	stream.indirect.scatter.add.f32 @!p0 [tilespmem:s7], [sflag:$0xA], $0x20, s9, s5, $0xb8;
	[tilespmem:$0x17000] =	vst v63  }
0xe9: {  	s9 =	simm.s32 @!p0 $0xA  }
0xea: {  	_ =	swait.ge @!p0 [sflag:s9], $0x1000  }
0xeb: {  	[sflag:s9] =	ssyncset.done @!p0 $0x0  }
0xec: {  	[sflag:s9] =	ssyncadd.s32 @!p0 $0xFFFFF000;
	s9 =	sadd.s32 @!p0 $0x480, s3  }
0xed: {  	[tilespmem:s7], [sflag:$0x2] =	stream.indirect.gather @!p0 [hbm4b:s4+s5], $0x20, s9, s5, $0xb8;
	[tilespmem:$0x17000] =	vst v63  }
0xee: {  	_ =	swait.ge [sflag:s29], $0x1000  }
0xef: {  	[sflag:s29] =	ssyncset.done $0x0  }
0xf0: {  	s23 =	sadd.s32 $0x2900, s20;
	s9 =	simm.s32 @p0 $0x4;
	[sflag:s29] =	ssyncadd.s32 $0xFFFFF000  }
0xf1: {  	[spmem:s2] =	stream.indirect.scatter.add.f32 [tilespmem:s17], [sflag:$0xB], $0x20, s23, s13, $0xb8;
	[tilespmem:$0x17000] =	vst v63  }
0xf2: {  	_ =	swait.ge @p0 [sflag:s9], $0x1000  }
0xf3: {  	[sflag:s9] =	ssyncset.done @p0 $0x0  }
0xf4: {  	s7 =	sadd.s32 @p0 $0x2980, s6;
	[sflag:s9] =	ssyncadd.s32 @p0 $0xFFFFF000;
	s9 =	simm.s32 @p0 $0x8000  }
0xf5: {  	[spmem:s2] =	stream.indirect.scatter.add.f32 @p0 [tilespmem:s9], [sflag:$0xC], $0x20, s7, s8, $0xb8;
	[tilespmem:$0x17000] =	vst v63  }
0xf6: {  	s7 =	simm.s32 @!p0 $0xB  }
0xf7: {  	_ =	swait.ge @!p0 [sflag:s7], $0x1000  }
0xf8: {  	[sflag:s7] =	ssyncset.done @!p0 $0x0  }
0xf9: {  	s9 =	sadd.s32 @!p0 $0x500, s3;
	[sflag:s7] =	ssyncadd.s32 @!p0 $0xFFFFF000;
	s7 =	simm.s32 @!p0 $0x7000  }
0xfa: {  	[tilespmem:s7], [sflag:$0x3] =	stream.indirect.gather @!p0 [hbm4b:s4+s5], $0x20, s9, s5, $0xb8;
	[tilespmem:$0x17000] =	vst v63  }
0xfb: {  	s7 =	simm.s32 @!p0 $0x4  }
0xfc: {  	_ =	swait.ge @!p0 [sflag:s7], $0x1000  }
0xfd: {  	[sflag:s7] =	ssyncset.done @!p0 $0x0  }
0xfe: {  	s9 =	sadd.s32 @!p0 $0x2980, s3;
	[sflag:s7] =	ssyncadd.s32 @!p0 $0xFFFFF000;
	s7 =	simm.s32 @!p0 $0x8000  }
0xff: {  	[spmem:s2] =	stream.indirect.scatter.add.f32 @!p0 [tilespmem:s7], [sflag:$0xC], $0x20, s9, s5, $0xb8;
	[tilespmem:$0x17000] =	vst v63  }
0x100: {  	s9 =	simm.s32 @!p0 $0xC  }
0x101: {  	_ =	swait.ge @!p0 [sflag:s9], $0x1000  }
0x102: {  	[sflag:s9] =	ssyncset.done @!p0 $0x0  }
0x103: {  	[sflag:s9] =	ssyncadd.s32 @!p0 $0xFFFFF000;
	s9 =	sadd.s32 @!p0 $0x580, s3  }
0x104: {  	[tilespmem:s7], [sflag:$0x4] =	stream.indirect.gather @!p0 [hbm4b:s4+s5], $0x20, s9, s5, $0xb8;
	[tilespmem:$0x17000] =	vst v63  }
0x105: {  	_ =	swait.ge [sflag:s30], $0x1000  }
0x106: {  	[sflag:s30] =	ssyncset.done $0x0  }
0x107: {  	s24 =	sadd.s32 $0x2A00, s20;
	s7 =	simm.s32 @p0 $0x6;
	[sflag:s30] =	ssyncadd.s32 $0xFFFFF000  }
0x108: {  	[spmem:s2] =	stream.indirect.scatter.add.f32 [tilespmem:s21], [sflag:$0xD], $0x20, s24, s13, $0xb8;
	[tilespmem:$0x17000] =	vst v63  }
0x109: {  	_ =	swait.ge @p0 [sflag:s7], $0x1000  }
0x10a: {  	[sflag:s7] =	ssyncset.done @p0 $0x0  }
0x10b: {  	s6 =	sadd.s32 @p0 $0x2A80, s6;
	[sflag:s7] =	ssyncadd.s32 @p0 $0xFFFFF000;
	s7 =	simm.s32 @p0 $0xA000  }
0x10c: {  	[spmem:s2] =	stream.indirect.scatter.add.f32 @p0 [tilespmem:s7], [sflag:$0xE], $0x20, s6, s8, $0xb8;
	[tilespmem:$0x17000] =	vst v63  }
0x10d: {  	s6 =	simm.s32 @!p0 $0xD  }
0x10e: {  	_ =	swait.ge @!p0 [sflag:s6], $0x1000  }
0x10f: {  	[sflag:s6] =	ssyncset.done @!p0 $0x0  }
0x110: {  	s7 =	sadd.s32 @!p0 $0x600, s3;
	[sflag:s6] =	ssyncadd.s32 @!p0 $0xFFFFF000;
	s6 =	simm.s32 @!p0 $0x9000  }
0x111: {  	[tilespmem:s6], [sflag:$0x5] =	stream.indirect.gather @!p0 [hbm4b:s4+s5], $0x20, s7, s5, $0xb8;
	[tilespmem:$0x17000] =	vst v63  }
0x112: {  	s6 =	simm.s32 @!p0 $0x6  }
0x113: {  	_ =	swait.ge @!p0 [sflag:s6], $0x1000  }
0x114: {  	[sflag:s6] =	ssyncset.done @!p0 $0x0  }
0x115: {  	s7 =	sadd.s32 @!p0 $0x2A80, s3;
	[sflag:s6] =	ssyncadd.s32 @!p0 $0xFFFFF000;
	s6 =	simm.s32 @!p0 $0xA000  }
0x116: {  	[spmem:s2] =	stream.indirect.scatter.add.f32 @!p0 [tilespmem:s6], [sflag:$0xE], $0x20, s7, s5, $0xb8;
	[tilespmem:$0x17000] =	vst v63  }
0x117: {  	s7 =	simm.s32 @!p0 $0xE  }
0x118: {  	_ =	swait.ge @!p0 [sflag:s7], $0x1000  }
0x119: {  	[sflag:s7] =	ssyncset.done @!p0 $0x0  }
0x11a: {  	[sflag:s7] =	ssyncadd.s32 @!p0 $0xFFFFF000;
	s7 =	sadd.s32 @!p0 $0x680, s3  }
0x11b: {  	[tilespmem:s6], [sflag:$0x6] =	stream.indirect.gather @!p0 [hbm4b:s4+s5], $0x20, s7, s5, $0xb8;
	[tilespmem:$0x17000] =	vst v63  }
0x11c: {  	_ =	swait.ge [sflag:s31], $0x1000  }
0x11d: {  	[sflag:s31] =	ssyncset.done $0x0  }
0x11e: {  	s7 =	sadd.s32 $0x2B00, s20;
	s6 =	simm.s32 @!p0 $0xF;
	[sflag:s31] =	ssyncadd.s32 $0xFFFFF000  }
0x11f: {  	[spmem:s2] =	stream.indirect.scatter.add.f32 [tilespmem:s25], [sflag:$0xF], $0x20, s7, s13, $0xb8;
	[tilespmem:$0x17000] =	vst v63  }
0x120: {  	_ =	swait.ge @!p0 [sflag:s6], $0x1000  }
0x121: {  	[sflag:s6] =	ssyncset.done @!p0 $0x0  }
0x122: {  	s3 =	sadd.s32 @!p0 $0x700, s3;
	[sflag:s6] =	ssyncadd.s32 @!p0 $0xFFFFF000;
	s6 =	simm.s32 @!p0 $0xB000  }
0x123: {  	[tilespmem:s6], [sflag:$0x7] =	stream.indirect.gather @!p0 [hbm4b:s4+s5], $0x20, s3, s5, $0xb8;
	[tilespmem:$0x17000] =	vst v63  }
0x124: {  	_ =	swait.ge [sflag:s1], $0x1000  }
0x125: {  	[sflag:s1] =	ssyncset.done $0x0  }
0x126: {  	s0 =	sadd.s32 $0x2B80, s20;
	s8 =	simm.s32 $0x9;
	[sflag:s1] =	ssyncadd.s32 $0xFFFFF000  }
0x127: {  	[spmem:s2] =	stream.indirect.scatter.add.f32 [tilespmem:s26], [sflag:$0x10], $0x20, s0, s13, $0xb8;
	[tilespmem:$0x17000] =	vst v63  }
0x128: {  	_ =	swait.ge [sflag:s8], $0x1000  }
0x129: {  	[sflag:s8] =	ssyncset.done $0x0  }
0x12a: {  	s9 =	simm.s32 $0xA;
	[sflag:s8] =	ssyncadd.s32 $0xFFFFF000  }
0x12b: {  	_ =	swait.ge [sflag:s9], $0x1000  }
0x12c: {  	[sflag:s9] =	ssyncset.done $0x0  }
0x12d: {  	s11 =	simm.s32 $0xB;
	[sflag:s9] =	ssyncadd.s32 $0xFFFFF000  }
0x12e: {  	_ =	swait.ge [sflag:s11], $0x1000  }
0x12f: {  	[sflag:s11] =	ssyncset.done $0x0  }
0x130: {  	s12 =	simm.s32 $0xC;
	[sflag:s11] =	ssyncadd.s32 $0xFFFFF000  }
0x131: {  	_ =	swait.ge [sflag:s12], $0x1000  }
0x132: {  	[sflag:s12] =	ssyncset.done $0x0  }
0x133: {  	s14 =	simm.s32 $0xD;
	[sflag:s12] =	ssyncadd.s32 $0xFFFFF000  }
0x134: {  	_ =	swait.ge [sflag:s14], $0x1000  }
0x135: {  	[sflag:s14] =	ssyncset.done $0x0  }
0x136: {  	s15 =	simm.s32 $0xE;
	[sflag:s14] =	ssyncadd.s32 $0xFFFFF000  }
0x137: {  	_ =	swait.ge [sflag:s15], $0x1000  }
0x138: {  	[sflag:s15] =	ssyncset.done $0x0  }
0x139: {  	s16 =	simm.s32 $0xF;
	[sflag:s15] =	ssyncadd.s32 $0xFFFFF000  }
0x13a: {  	_ =	swait.ge [sflag:s16], $0x1000  }
0x13b: {  	[sflag:s16] =	ssyncset.done $0x0  }
0x13c: {  	s18 =	simm.s32 $0x10;
	[sflag:s16] =	ssyncadd.s32 $0xFFFFF000  }
0x13d: {  	_ =	swait.ge [sflag:s18], $0x1000  }
0x13e: {  	[sflag:s18] =	ssyncset.done $0x0  }
0x13f: {  	[sflag:s18] =	ssyncadd.s32 $0xFFFFF000  }
0x140: {  	s19 =	stileid.u32;
	[bflag:$0x0] =	sbarrier.arrive $0xFFFF  }
0x141: {  	s7 =	simm.s32 $0x11;
	s0 =	sshll.u32 s19, $0x6;
	s6 =	rddreg [dreg:$0x5]  }
0x142: {  	s0 =	sor.u32 $0x1C11, s0;
	s22 =	rddreg [dreg:$0x6];
	s20 =	sshrl.u32 s6, $0x3  }
0x143: {  	[hbm:s22], [sflag:s0] =	dma.local [spmem:s20], $0xA00  }
0x144: {  	_ =	swait.ge [sflag:s7], $0xA00  }
0x145: {  	s23 =	rddreg [dreg:$0x8]  }
0x146: {  	s24 =	rddreg [dreg:$0x7];
	s3 =	sadd.s32 $0x1, s23  }
0x147: {  	p0 =	sne.s32 s3, s24  }
.Ltmp2:
0x148: {  	_ = 	snop;
	(pc) =	sbr.rel @p0 .LBB2_1-.Ltmp2, $3  }
0x149: {  	_ =	sdelay $0x1  }
0x14a: {  	[sflag:s7] =	ssyncset.done $0x0  }
0x14b: {  	[sflag:s7] =	ssyncadd.s32 $0xFFFFF600  }
0x14c: {  	_ =	sfence.sel $0x180000  }
0x14d: {  	[bflag:$0x0] =	sbarrier.arrive $0xFFFF  }
0x14e: {  	_ =	strace $0x9000004A  }
0x14f: {  	s0 =	stileid.u32;
	[bflag:$0x2] =	sbarrier.arrive $0xFFFF  }
0x150: {  	p0 =	sne.s32 s0, $0x0;
	s0 =	rddreg [dreg:$0x2]  }
0x151: {  	s0 =	sadd.s32 @!p0 $0x100000, s0  }
0x152: {  	[sflag:s0] =	ssyncadd.tile.s32 @!p0 $0x1;
	_ =	shalt  }
.Lfunc_end2:
_tile_overlayer_lowered:
.L_overlay_start_2:
0x153: {  	(tag) =	ssettag $0x2  }
0x154: {  	s0 =	rddreg [dreg:$0x0];
	s2 =	stileid.u32  }
0x155: {  	s1 =	rddreg [dreg:$0x1];
	p0 =	sne.s32 s2, $0x0  }
0x156: {  	s3 =	rddreg [dreg:$0x2];
	[bflag:$0x3] =	sbarrier.arrive $0xFFFF;
	s2 =	simm.s32 @!p0 $0x1C11  }
0x157: {  	[timem:s3], [sflag:s2] =	dma.local @!p0 [hbm:s0], s1  }
0x158: {  	s0 =	simm.s32 @!p0 $0x11  }
0x159: {  	_ =	swait.ge @!p0 [sflag:s0], s1  }
0x15a: {  	s1 =	ssub.s32 @!p0 $0x0, s1;
	[sflag:s0] =	ssyncset.done @!p0 $0x0  }
0x15b: {  	[sflag:s0] =	ssyncadd.s32 @!p0 s1  }
0x15c: {  	[bflag:$0x3] =	sbarrier.arrive $0xFFFF  }
0x15d: {  	_ =	shalt  }

// kernel: kernel.7.cloned.1.call-start
scs
__scs_entry_jumppad:
0x0: {  	(pc) =	sbr.rel $0x88, $3  }
0x1: {  	(tag) =	ssettag $0x0;
	lr =	simm.s32 $0x1  }
0x2: {  	[smem:$0x3F98] =	sst lr;
	_ =	strace $0xD0000000  }
0x3: {  	_ = 	snop  }
0x4: {  	_ = 	snop  }
0x5: {  	_ = 	snop  }
0x6: {  	_ = 	snop  }
0x7: {  	_ = 	snop  }
__scs_overlays_trampoline_lowered:
0x8: {  	[smem:$0x3FA7] =	sst s0  }
0x9: {  	[smem:$0x3FA8] =	sst s1  }
0xa: {  	[smem:$0x3FA9] =	sst s2  }
0xb: {  	[smem:$0x3FAA] =	sst s3  }
0xc: {  	[smem:$0x3FAB] =	sst s4  }
0xd: {  	[smem:$0x3FAC] =	sst s5  }
0xe: {  	[smem:$0x3FAD] =	sst s6  }
0xf: {  	[smem:$0x3FAE] =	sst s7  }
0x10: {  	[smem:$0x3FAF] =	sst s8  }
0x11: {  	[smem:$0x3FB0] =	sst s9;
	s0 =	simm.s32 @!p0 $0x0  }
0x12: {  	s1 =	sld [smem:$0x3F96];
	s0 =	simm.s32 @p0 $0x1  }
0x13: {  	[smem:$0x3FB1] =	sst s0;
	s0 =	simm.s32 @!p1 $0x0  }
0x14: {  	s2 =	sld [smem:$0x3F95];
	s0 =	simm.s32 @p1 $0x1  }
0x15: {  	[smem:$0x3FB2] =	sst s0;
	s0 =	simm.s32 @!p2 $0x0  }
0x16: {  	s3 =	sld [smem:$0x3FDB];
	s0 =	simm.s32 @p2 $0x1  }
0x17: {  	s4 =	simm.s32 $0x1BF5;
	[smem:$0x3FB4] =	sst s0  }
0x18: {  	s0 =	sld [smem:$0x3F97];
	_ =	swait.ge [sflag:s4], $0x0  }
0x19: {  	s7 =	sld [smem:$0x3F98]  }
0x1a: {  	s8 =	sadd.s32 $0xFFFFE003, lr  }
0x1b: {  	s9 =	sadd.s32 $0xFFFFFEF7, lr;
	s5 =	simm.s32 $0xFFFFFFFF;
	p2 =	slt.u32 s8, $0xFFFFF086  }
0x1c: {  	p1 =	slt.u32 s9, $0xF7A;
	s5 =	simm.s32 @!p2 $0x0  }
0x1d: {  	s5 =	simm.s32 @p1 $0x1;
	p0 =	seq.s32 s7, s2  }
0x1e: {  	s7 =	smul.u32 @!p0 $0xF7A, s2;
	p2 =	seq.s32 @!p0 s5, $0x0  }
0x1f: {  	s9 =	smul.u32 $0xF7A, s1;
	s8 =	simm.s32 @!p0 $0x1BF5;
	p2 =	por !p2, p0  }
0x20: {  	[sflag:s8] =	ssyncset.s32 @!p0 $0xFFFFF086;
	s6 =	sadd.s32 @!p0 s3, s7;
	s7 =	simm.s32 @!p0 $0x108  }
0x21: {  	s3 =	sadd.s32 s3, s9;
	s6 =	sadd.s32 @!p0 $0x88, s6;
	s7 =	simm.s32 @p2 $0x1082  }
0x22: {  	[simem:s7], [sflag:s8] =	dma.local @!p0 [hbm:s6], $0xF7A  }
0x23: {  	s9 =	sor.u32 $0xD0000000, s2;
	s6 =	simm.s32 $0x108;
	_ =	swait.ge @!p0 [sflag:s8], $0x0  }
0x24: {  	s3 =	sadd.s32 $0x88, s3;
	s6 =	simm.s32 @!p1 $0x1082;
	[sflag:s4] =	ssyncset.s32 $0xFFFFF086  }
0x25: {  	[simem:s6], [sflag:s4] =	dma.local [hbm:s3], $0xF7A  }
0x26: {  	[smem:$0x3F98] =	sst s1;
	(tag) =	ssettag s2;
	_ =	strace s9  }
0x27: {  	s1 =	sld [smem:$0x3FA8]  }
0x28: {  	s2 =	sld [smem:$0x3FA9]  }
0x29: {  	s4 =	sld [smem:$0x3FAB]  }
0x2a: {  	p0 =	seq.s32 s5, $0x0;
	s5 =	sld [smem:$0x3FAC]  }
0x2b: {  	s6 =	sld [smem:$0x3FAD]  }
0x2c: {  	s7 =	sld [smem:$0x3FAE]  }
0x2d: {  	s3 =	simm.s32 $0x108;
	s8 =	sld [smem:$0x3FAF]  }
0x2e: {  	s3 =	simm.s32 @!p0 $0x1082;
	s9 =	sld [smem:$0x3FB0]  }
0x2f: {  	lr =	sadd.s32 s0, s3;
	s0 =	sld [smem:$0x3FA7]  }
0x30: {  	s3 =	sld [smem:$0x3FAA]  }
0x31: {  	[smem:$0x3FB3] =	sst s10  }
0x32: {  	s10 =	sld [smem:$0x3FB1];
	_ =	sdelay $0x3  }
0x33: {  	p0 =	seq.s32 s10, $0x1;
	s10 =	sld [smem:$0x3FB3];
	_ =	sdelay $0x3  }
0x34: {  	[smem:$0x3FB3] =	sst s10  }
0x35: {  	s10 =	sld [smem:$0x3FB2];
	_ =	sdelay $0x3  }
0x36: {  	p1 =	seq.s32 s10, $0x1;
	s10 =	sld [smem:$0x3FB3];
	_ =	sdelay $0x3  }
0x37: {  	[smem:$0x3FB3] =	sst s10  }
0x38: {  	s10 =	sld [smem:$0x3FB4]  }
0x39: {  	_ = 	snop;
	(pc) =	sbr.ind lr, $3  }
0x3a: {  	_ = 	snop  }
0x3b: {  	_ = 	snop  }
0x3c: {  	p2 =	seq.s32 s10, $0x1;
	s10 =	sld [smem:$0x3FB3]  }
0x3d: {  	_ =	shalt  }
0x3e: {  	_ =	shalt  }
0x3f: {  	_ =	shalt  }
0x40: {  	_ =	shalt  }
0x41: {  	_ =	shalt  }
0x42: {  	_ =	shalt  }
0x43: {  	_ =	shalt  }
0x44: {  	_ =	shalt  }
0x45: {  	_ =	shalt  }
0x46: {  	_ =	shalt  }
0x47: {  	_ =	shalt  }
0x48: {  	_ =	shalt  }
0x49: {  	_ =	shalt  }
0x4a: {  	_ =	shalt  }
0x4b: {  	_ =	shalt  }
0x4c: {  	_ =	shalt  }
0x4d: {  	_ =	shalt  }
0x4e: {  	_ =	shalt  }
0x4f: {  	_ =	shalt  }
0x50: {  	_ =	shalt  }
0x51: {  	_ =	shalt  }
0x52: {  	_ =	shalt  }
0x53: {  	_ =	shalt  }
0x54: {  	_ =	shalt  }
0x55: {  	_ =	shalt  }
0x56: {  	_ =	shalt  }
0x57: {  	_ =	shalt  }
0x58: {  	_ =	shalt  }
0x59: {  	_ =	shalt  }
0x5a: {  	_ =	shalt  }
0x5b: {  	_ =	shalt  }
0x5c: {  	_ =	shalt  }
0x5d: {  	_ =	shalt  }
0x5e: {  	_ =	shalt  }
0x5f: {  	_ =	shalt  }
0x60: {  	_ =	shalt  }
0x61: {  	_ =	shalt  }
0x62: {  	_ =	shalt  }
0x63: {  	_ =	shalt  }
0x64: {  	_ =	shalt  }
0x65: {  	_ =	shalt  }
0x66: {  	_ =	shalt  }
0x67: {  	_ =	shalt  }
0x68: {  	_ =	shalt  }
0x69: {  	_ =	shalt  }
0x6a: {  	_ =	shalt  }
0x6b: {  	_ =	shalt  }
0x6c: {  	_ =	shalt  }
0x6d: {  	_ =	shalt  }
0x6e: {  	_ =	shalt  }
0x6f: {  	_ =	shalt  }
0x70: {  	_ =	shalt  }
0x71: {  	_ =	shalt  }
0x72: {  	_ =	shalt  }
0x73: {  	_ =	shalt  }
0x74: {  	_ =	shalt  }
0x75: {  	_ =	shalt  }
0x76: {  	_ =	shalt  }
0x77: {  	_ =	shalt  }
0x78: {  	_ =	shalt  }
0x79: {  	_ =	shalt  }
0x7a: {  	_ =	shalt  }
0x7b: {  	_ =	shalt  }
0x7c: {  	_ =	shalt  }
0x7d: {  	_ =	shalt  }
0x7e: {  	_ =	shalt  }
0x7f: {  	_ =	shalt  }
0x80: {  	_ =	shalt  }
0x81: {  	_ =	shalt  }
0x82: {  	_ =	shalt  }
0x83: {  	_ =	shalt  }
0x84: {  	_ =	shalt  }
0x85: {  	_ =	shalt  }
0x86: {  	_ =	shalt  }
0x87: {  	_ =	shalt  }
.Lfunc_end0:
.L_simem_size_0:
called_computation_lowered:
.L_overlay_start_0:
0x88: {  	s2 =	sld [smem:$0x3FD9]  }
0x89: {  	s3 =	sld [smem:$0x3FFE];
	_ =	sdelay $0x1  }
0x8a: {  	s1 =	srdreg.scid  }
0x8b: {  	s0 =	sand.u32 $0x1, s1  }
0x8c: {  	s16 =	sshll.u32 s0, $0xA;
	s2 =	sadd.s32 s3, s2  }
0x8d: {  	s2 =	sadd.s32 s2, s16  }
0x8e: {  	[smem:$0x3FBF] =	sst s2  }
0x8f: {  	_ = 	snop  }
0x90: {  	(tm) =	ssettm $0x1  }
0x91: {  	s17 =	sld [smem:$0x3FFB];
	_ =	sdelay $0x3  }
0x92: {  	_ =	strace s17  }
0x93: {  	s2 =	sld [smem:$0x3FFC];
	_ =	sdelay $0x3  }
0x94: {  	_ =	strace s2  }
0x95: {  	s2 =	sld [smem:$0x3FFD];
	_ =	sdelay $0x3  }
0x96: {  	_ =	strace s2  }
0x97: {  	_ =	strace $0x8FFFFFFF  }
0x98: {  	s18 =	sld [smem:$0x3FDB];
	_ =	sdelay $0x1  }
0x99: {  	s19 =	simm.s32 $_scs_section_size  }
0x9a: {  	s4 =	simm.s32 $_size__tile_overlayer_lowered;
	s5 =	simm.s32 $_tile_overlayer_lowered  }
0x9b: {  	s22 =	simm.s32 $0x1BFF;
	s21 =	sshll.u32 s5, $0x1;
	s2 =	sadd.s32 s19, s18  }
0x9c: {  	s6 =	simm.s32 $0x0;
	s20 =	sshll.u32 s4, $0x1;
	s4 =	sadd.s32 s21, s2  }
0x9d: {  	[timem:s6], [sflag:s22] =	dma.local [hbm:s4], s20  }
0x9e: {  	_ =	swait.ge [sflag:s22], s20  }
0x9f: {  	s3 =	ssub.s32 $0x0, s20;
	[sflag:s22] =	ssyncset.done $0x0  }
0xa0: {  	[sflag:s22] =	ssyncadd.s32 s3;
	_ =	sdelay $0x1  }
0xa1: {  	s23 =	simm.s32 $0x1B8B  }
0xa2: {  	_ =	swait.ge [sflag:s23], $0x1  }
0xa3: {  	[sflag:s23] =	ssyncset.done $0x0  }
0xa4: {  	s25 =	simm.s32 $0x1B8E;
	s24 =	sld [smem:$0x3FFE];
	[sflag:s23] =	ssyncadd.s32 $0xFFFFFFFF  }
0xa5: {  	s26 =	simm.s32 $execute0_lowered;
	[smem:$0x3FD2] =	sst s25  }
0xa6: {  	s4 =	sshll.u32 s26, $0x1;
	_ =	strace $0x80000046;
	[dreg:$0x1] =	wrdreg $0xFFFFFFFF  }
0xa7: {  	s28 =	simm.s32 $_size_execute0_lowered;
	s2 =	sadd.s32 s2, s4;
	[dreg:$0x0] =	wrdreg $0x0  }
0xa8: {  	s4 =	sshll.u32 s28, $0x1;
	[dreg:$0x2] =	wrdreg s2  }
0xa9: {  	[dreg:$0x3] =	wrdreg s4  }
0xaa: {  	[dreg:$0x4] =	wrdreg $0xC0  }
0xab: {  	_ =	task [dreg:s6], $0x5FFFF  }
0xac: {  	[dreg:$0x1] =	wrdreg $0xFFFFFFFF  }
0xad: {  	[dreg:$0x0] =	wrdreg $0x60  }
0xae: {  	[dreg:$0x2] =	wrdreg s24  }
0xaf: {  	[dreg:$0x3] =	wrdreg $0x2B000  }
0xb0: {  	[dreg:$0x4] =	wrdreg $0x9  }
0xb1: {  	_ =	task.clear_ibuf [dreg:s6], $0x5FFFF;
	_ =	strace $0x90000046  }
0xb2: {  	s29 =	simm.s32 $0x9;
	_ =	strace $0x80000048  }
0xb3: {  	_ =	swait.ge [sflag:s29], $0x1  }
0xb4: {  	[sflag:s29] =	ssyncadd.s32 $0xFFFFFFFF  }
0xb5: {  	_ =	strace $0x90000048  }
0xb6: {  	_ =	sfence  }
0xb7: {  	s30 =	sld [smem:$0x0];
	_ =	sdelay $0x2  }
0xb8: {  	s31 =	sshll.u32 s1, $0xD;
	s1 =	sshrl.u32 s1, $0x2  }
0xb9: {  	s3 =	sand.u32 $0x4000, s31;
	s1 =	sadd.s32 s1, s30  }
0xba: {  	s0 =	sor.u32 s3, s0;
	s1 =	sshll.u32 s1, $0x11  }
0xbb: {  	s0 =	sor.u32 s1, s0  }
0xbc: {  	s0 =	sadd.s32 $0x8F2B, s0  }
0xbd: {  	[sflag:s0] =	ssyncadd.remote.s32 $0x1  }
0xbe: {  	_ =	sfence.sel $0xFFFF  }
0xbf: {  	[dreg:$0x0] =	wrdreg $0xFFFFFFFF;
	(pc) =	sbr.abs _section_cstart, $3  }
0xc0: {  	[dreg:$0x1] =	wrdreg $0xFFFFFFFF  }
0xc1: {  	_ =	task.clear_ibuf [dreg:s6], $0x2FFFF;
	_ =	strace $0x9FFFFFFF  }
0xc2: {  	(tm) =	ssettm $0x7FFFFFFF  }
0xc3: {  	_ =	shalt  }
tec
execute0_lowered:
.L_overlay_start_1:
0x0: {  	(tag) =	ssettag $0x1  }
0x1: {  	s4 =	rddreg [dreg:$0x0];
	s0 =	srdreg.scid  }
0x2: {  	s2 =	rddreg [dreg:$0x1];
	s1 =	stileid.u32;
	s3 =	simm.s32 $0x0  }
0x3: {  	s10 =	simm.s32 $0x80;
	s11 =	simm.s32 $0x2800;
	s12 =	simm.s32 $0x1  }
0x4: {  	s15 =	simm.s32 $0x0;
	s5 =	sand.u32 $0x1, s0;
	s0 =	rddreg [dreg:$0x2]  }
0x5: {  	s6 =	smul.u32 $0x280, s1;
	[smem:$0x7FF] =	sst s3;
	s13 =	sshll.u32 s1, $0x6  }
0x6: {  	s7 =	sshll.u32 s5, $0x4;
	s8 =	smul.u32 $0x2800, s5;
	_ =	strace $0x80000047  }
0x7: {  	s5 =	ssub.s32 $0x2, s5;
	s13 =	sor.u32 $0x1C02, s13;
	s7 =	sor.u32 s1, s7  }
0x8: {  	s9 =	sshrl.u32 s5, $0x1;
	s7 =	smul.u32 $0x2800, s7;
	s8 =	sadd.s32 s6, s8  }
0x9: {  	s9 =	ssub.s32 s5, s9;
	s5 =	sadd.s32 s6, s2;
	s8 =	sshrl.u32 s8, $0x3  }
0xa: {  	s14 =	sshrl.u32 s5, $0x3;
	s7 =	sshrl.u32 s7, $0x3;
	s8 =	sadd.s32 s8, s4  }
0xb: {  	s7 =	sadd.s32 s4, s7;
	s6 =	sadd.s32 $0x16400, s8;
	s8 =	simm.s32 $0x2  }
0xc: {  	v0 =	vimm.f32 $1.000000000e+00;
	v1 =	vimm.f32 $0.0e+00;
	s4 =	sadd.s32 $0xC400, s7;
	s7 =	smax.u32 s9, $0x1;
	s9 =	simm.s32 $0x2880  }
.LBB2_1:
0xd: {  	[tilespmem:s3], [sflag:$0x2] =	stream.linear.gather [hbm4b:s4+s3], $0x2800, $0x38;
	[tilespmem:$0x2D80] =	vst v63  }
0xe: {  	_ =	swait.ge [sflag:s8], $0x2800  }
0xf: {  	[sflag:s8] =	ssyncset.done $0x0  }
0x10: {  	s16 =	sand.u32 $0x3FF0, s3;
	s17 =	simm.s32 $0x10;
	[sflag:s8] =	ssyncadd.s32 $0xFFFFD800  }
.LBB2_2:
0x11: {  	p0 =	sne.s32 s17, $0x27F0;
	v2 =	vld [tilespmem:s16+$0x0];
	_ =	sdelay $0x4  }
.Ltmp0:
0x12: {  	v3 =	vand.u32 $0x3, v2;
	(pc) =	sbr.rel @p0 .LBB2_2-.Ltmp0, $4  }
0x13: {  	v3 =	vmul.u32 $0xA00, v3  }
0x14: {  	v2 =	vshra.s32 v2, $0x2  }
0x15: {  	v2 =	vadd.s32 v2, v3  }
0x16: {  	[tilespmem:s16+$0x0] =	vst v2;
	s16 =	sand.u32 $0x3FF0, s17;
	s17 =	sadd.s32 $0x10, s17  }
0x17: {  	v2 =	vld [tilespmem:s16+$0x0];
	_ =	sdelay $0x4  }
0x18: {  	v3 =	vand.u32 $0x3, v2  }
0x19: {  	v3 =	vmul.u32 $0xA00, v3  }
0x1a: {  	v2 =	vshra.s32 v2, $0x2  }
0x1b: {  	v2 =	vadd.s32 v2, v3  }
0x1c: {  	[tilespmem:s16+$0x0] =	vst v2  }
0x1d: {  	[tilespmem:$0x2800] =	vst v0  }
0x1e: {  	[tilespmem:$0x2810] =	vst v0  }
0x1f: {  	[tilespmem:$0x2820] =	vst v0  }
0x20: {  	[tilespmem:$0x2830] =	vst v0  }
0x21: {  	[tilespmem:$0x2840] =	vst v0  }
0x22: {  	[tilespmem:$0x2850] =	vst v0  }
0x23: {  	[tilespmem:$0x2860] =	vst v0  }
0x24: {  	[tilespmem:$0x2870] =	vst v0  }
0x25: {  	[tilespmem:$0x2880] =	vst v1  }
0x26: {  	[tilespmem:$0x2890] =	vst v1  }
0x27: {  	[tilespmem:$0x28A0] =	vst v1  }
0x28: {  	[tilespmem:$0x28B0] =	vst v1  }
0x29: {  	[tilespmem:$0x28C0] =	vst v1  }
0x2a: {  	[tilespmem:$0x28D0] =	vst v1  }
0x2b: {  	[tilespmem:$0x28E0] =	vst v1  }
0x2c: {  	[tilespmem:$0x28F0] =	vst v1  }
0x2d: {  	[tilespmem:$0x2900] =	vst v1  }
0x2e: {  	[tilespmem:$0x2910] =	vst v1  }
0x2f: {  	[tilespmem:$0x2920] =	vst v1  }
0x30: {  	[tilespmem:$0x2930] =	vst v1  }
0x31: {  	[tilespmem:$0x2940] =	vst v1  }
0x32: {  	[tilespmem:$0x2950] =	vst v1  }
0x33: {  	[tilespmem:$0x2960] =	vst v1  }
0x34: {  	[tilespmem:$0x2970] =	vst v1  }
0x35: {  	[tilespmem:$0x2980] =	vst v1  }
0x36: {  	[tilespmem:$0x2990] =	vst v1  }
0x37: {  	[tilespmem:$0x29A0] =	vst v1  }
0x38: {  	[tilespmem:$0x29B0] =	vst v1  }
0x39: {  	[tilespmem:$0x29C0] =	vst v1  }
0x3a: {  	[tilespmem:$0x29D0] =	vst v1  }
0x3b: {  	[tilespmem:$0x29E0] =	vst v1  }
0x3c: {  	[tilespmem:$0x29F0] =	vst v1  }
0x3d: {  	[tilespmem:$0x2A00] =	vst v1  }
0x3e: {  	[tilespmem:$0x2A10] =	vst v1  }
0x3f: {  	[tilespmem:$0x2A20] =	vst v1  }
0x40: {  	[tilespmem:$0x2A30] =	vst v1  }
0x41: {  	[tilespmem:$0x2A40] =	vst v1  }
0x42: {  	[tilespmem:$0x2A50] =	vst v1  }
0x43: {  	[tilespmem:$0x2A60] =	vst v1  }
0x44: {  	[tilespmem:$0x2A70] =	vst v1  }
0x45: {  	[tilespmem:$0x2A80] =	vst v1  }
0x46: {  	[tilespmem:$0x2A90] =	vst v1  }
0x47: {  	[tilespmem:$0x2AA0] =	vst v1  }
0x48: {  	[tilespmem:$0x2AB0] =	vst v1  }
0x49: {  	[tilespmem:$0x2AC0] =	vst v1  }
0x4a: {  	[tilespmem:$0x2AD0] =	vst v1  }
0x4b: {  	[tilespmem:$0x2AE0] =	vst v1  }
0x4c: {  	[tilespmem:$0x2AF0] =	vst v1  }
0x4d: {  	[spmem:s5] =	stream.linear.scatter [tilespmem:s9], [sflag:$0x2], $0x280, $0x38;
	[tilespmem:$0x2D80] =	vst v63  }
0x4e: {  	_ =	swait.ge [sflag:s8], $0x280  }
0x4f: {  	[sflag:s8] =	ssyncset.done $0x0  }
0x50: {  	[sflag:s8] =	ssyncadd.s32 $0xFFFFFD80  }
0x51: {  	s23 =	simm.s32 $0x0;
	[bflag:$0x0] =	sbarrier.arrive $0xFFFF  }
0x52: {  	[spmem:s2] =	stream.indirect.scatter.add.f32 [tilespmem:s11], [sflag:$0x1], $0x1, s23, s10, $0xb8;
	[tilespmem:$0x2D80] =	vst v63  }
0x53: {  	s24 =	simm.s32 $0x80  }
0x54: {  	[spmem:s2] =	stream.indirect.scatter.add.f32 [tilespmem:s11], [sflag:$0x1], $0x1, s24, s10, $0xb8;
	[tilespmem:$0x2D80] =	vst v63  }
0x55: {  	s25 =	simm.s32 $0x100  }
0x56: {  	[spmem:s2] =	stream.indirect.scatter.add.f32 [tilespmem:s11], [sflag:$0x1], $0x1, s25, s10, $0xb8;
	[tilespmem:$0x2D80] =	vst v63  }
0x57: {  	s26 =	simm.s32 $0x180  }
0x58: {  	[spmem:s2] =	stream.indirect.scatter.add.f32 [tilespmem:s11], [sflag:$0x1], $0x1, s26, s10, $0xb8;
	[tilespmem:$0x2D80] =	vst v63  }
0x59: {  	s28 =	simm.s32 $0x200  }
0x5a: {  	[spmem:s2] =	stream.indirect.scatter.add.f32 [tilespmem:s11], [sflag:$0x1], $0x1, s28, s10, $0xb8;
	[tilespmem:$0x2D80] =	vst v63  }
0x5b: {  	s29 =	simm.s32 $0x280  }
0x5c: {  	[spmem:s2] =	stream.indirect.scatter.add.f32 [tilespmem:s11], [sflag:$0x1], $0x1, s29, s10, $0xb8;
	[tilespmem:$0x2D80] =	vst v63  }
0x5d: {  	s30 =	simm.s32 $0x300  }
0x5e: {  	[spmem:s2] =	stream.indirect.scatter.add.f32 [tilespmem:s11], [sflag:$0x1], $0x1, s30, s10, $0xb8;
	[tilespmem:$0x2D80] =	vst v63  }
0x5f: {  	s31 =	simm.s32 $0x380  }
0x60: {  	[spmem:s2] =	stream.indirect.scatter.add.f32 [tilespmem:s11], [sflag:$0x1], $0x1, s31, s10, $0xb8;
	[tilespmem:$0x2D80] =	vst v63  }
0x61: {  	_ =	swait.ge [sflag:s12], $0x80  }
0x62: {  	[sflag:s12] =	ssyncset.done $0x0  }
0x63: {  	[sflag:s12] =	ssyncadd.s32 $0xFFFFFF80  }
0x64: {  	_ =	swait.ge [sflag:s12], $0x80  }
0x65: {  	[sflag:s12] =	ssyncset.done $0x0  }
0x66: {  	[sflag:s12] =	ssyncadd.s32 $0xFFFFFF80  }
0x67: {  	_ =	swait.ge [sflag:s12], $0x80  }
0x68: {  	[sflag:s12] =	ssyncset.done $0x0  }
0x69: {  	[sflag:s12] =	ssyncadd.s32 $0xFFFFFF80  }
0x6a: {  	_ =	swait.ge [sflag:s12], $0x80  }
0x6b: {  	[sflag:s12] =	ssyncset.done $0x0  }
0x6c: {  	[sflag:s12] =	ssyncadd.s32 $0xFFFFFF80  }
0x6d: {  	_ =	swait.ge [sflag:s12], $0x80  }
0x6e: {  	[sflag:s12] =	ssyncset.done $0x0  }
0x6f: {  	[sflag:s12] =	ssyncadd.s32 $0xFFFFFF80  }
0x70: {  	_ =	swait.ge [sflag:s12], $0x80  }
0x71: {  	[sflag:s12] =	ssyncset.done $0x0  }
0x72: {  	[sflag:s12] =	ssyncadd.s32 $0xFFFFFF80  }
0x73: {  	_ =	swait.ge [sflag:s12], $0x80  }
0x74: {  	[sflag:s12] =	ssyncset.done $0x0  }
0x75: {  	[sflag:s12] =	ssyncadd.s32 $0xFFFFFF80  }
0x76: {  	_ =	swait.ge [sflag:s12], $0x80  }
0x77: {  	s18 =	simm.s32 $0x2000;
	s16 =	simm.s32 $0x1000;
	[sflag:s12] =	ssyncset.done $0x0  }
.LBB2_4:
0x78: {  	s19 =	sshra.s32 s16, $0x2  }
0x79: {  	[sflag:s12] =	ssyncadd.s32 $0xFFFFFF80;
	s16 =	smov.u32 s18;
	s17 =	sadd.s32 $0x1000, s18  }
0x7a: {  	[spmem:s2] =	stream.indirect.scatter.add.f32 [tilespmem:s11], [sflag:$0x1], $0x1, s19, s10, $0xb8;
	[tilespmem:$0x2D80] =	vst v63  }
0x7b: {  	p0 =	sne.s32 s18, $0x9000;
	s18 =	sadd.s32 $0x80, s19  }
0x7c: {  	[spmem:s2] =	stream.indirect.scatter.add.f32 [tilespmem:s11], [sflag:$0x1], $0x1, s18, s10, $0xb8;
	[tilespmem:$0x2D80] =	vst v63  }
0x7d: {  	s18 =	sadd.s32 $0x100, s19  }
0x7e: {  	[spmem:s2] =	stream.indirect.scatter.add.f32 [tilespmem:s11], [sflag:$0x1], $0x1, s18, s10, $0xb8;
	[tilespmem:$0x2D80] =	vst v63  }
0x7f: {  	s18 =	sadd.s32 $0x180, s19  }
0x80: {  	[spmem:s2] =	stream.indirect.scatter.add.f32 [tilespmem:s11], [sflag:$0x1], $0x1, s18, s10, $0xb8;
	[tilespmem:$0x2D80] =	vst v63  }
0x81: {  	s18 =	sadd.s32 $0x200, s19  }
0x82: {  	[spmem:s2] =	stream.indirect.scatter.add.f32 [tilespmem:s11], [sflag:$0x1], $0x1, s18, s10, $0xb8;
	[tilespmem:$0x2D80] =	vst v63  }
0x83: {  	s18 =	sadd.s32 $0x280, s19  }
0x84: {  	[spmem:s2] =	stream.indirect.scatter.add.f32 [tilespmem:s11], [sflag:$0x1], $0x1, s18, s10, $0xb8;
	[tilespmem:$0x2D80] =	vst v63  }
0x85: {  	s18 =	sadd.s32 $0x300, s19  }
0x86: {  	[spmem:s2] =	stream.indirect.scatter.add.f32 [tilespmem:s11], [sflag:$0x1], $0x1, s18, s10, $0xb8;
	[tilespmem:$0x2D80] =	vst v63  }
0x87: {  	s18 =	sadd.s32 $0x380, s19  }
0x88: {  	[spmem:s2] =	stream.indirect.scatter.add.f32 [tilespmem:s11], [sflag:$0x1], $0x1, s18, s10, $0xb8;
	[tilespmem:$0x2D80] =	vst v63  }
0x89: {  	_ =	swait.ge [sflag:s12], $0x80  }
0x8a: {  	[sflag:s12] =	ssyncset.done $0x0  }
0x8b: {  	[sflag:s12] =	ssyncadd.s32 $0xFFFFFF80  }
0x8c: {  	_ =	swait.ge [sflag:s12], $0x80  }
0x8d: {  	[sflag:s12] =	ssyncset.done $0x0  }
0x8e: {  	[sflag:s12] =	ssyncadd.s32 $0xFFFFFF80  }
0x8f: {  	_ =	swait.ge [sflag:s12], $0x80  }
0x90: {  	[sflag:s12] =	ssyncset.done $0x0  }
0x91: {  	[sflag:s12] =	ssyncadd.s32 $0xFFFFFF80  }
0x92: {  	_ =	swait.ge [sflag:s12], $0x80  }
0x93: {  	[sflag:s12] =	ssyncset.done $0x0  }
0x94: {  	[sflag:s12] =	ssyncadd.s32 $0xFFFFFF80  }
0x95: {  	_ =	swait.ge [sflag:s12], $0x80  }
0x96: {  	[sflag:s12] =	ssyncset.done $0x0  }
0x97: {  	[sflag:s12] =	ssyncadd.s32 $0xFFFFFF80  }
0x98: {  	_ =	swait.ge [sflag:s12], $0x80  }
0x99: {  	[sflag:s12] =	ssyncset.done $0x0  }
0x9a: {  	[sflag:s12] =	ssyncadd.s32 $0xFFFFFF80  }
.Ltmp1:
0x9b: {  	_ =	swait.ge [sflag:s12], $0x80;
	(pc) =	sbr.rel @p0 .LBB2_4-.Ltmp1, $4  }
0x9c: {  	[sflag:s12] =	ssyncset.done $0x0  }
0x9d: {  	[sflag:s12] =	ssyncadd.s32 $0xFFFFFF80  }
0x9e: {  	_ =	swait.ge [sflag:s12], $0x80  }
0x9f: {  	s18 =	smov.u32 s17;
	[sflag:s12] =	ssyncset.done $0x0  }
0xa0: {  	s16 =	sshra.s32 s16, $0x2;
	[sflag:s12] =	ssyncadd.s32 $0xFFFFFF80  }
0xa1: {  	[spmem:s2] =	stream.indirect.scatter.add.f32 [tilespmem:s11], [sflag:$0x1], $0x1, s16, s10, $0xb8;
	[tilespmem:$0x2D80] =	vst v63  }
0xa2: {  	s17 =	sadd.s32 $0x80, s16  }
0xa3: {  	[spmem:s2] =	stream.indirect.scatter.add.f32 [tilespmem:s11], [sflag:$0x1], $0x1, s17, s10, $0xb8;
	[tilespmem:$0x2D80] =	vst v63  }
0xa4: {  	s26 =	sadd.s32 $0x100, s16  }
0xa5: {  	[spmem:s2] =	stream.indirect.scatter.add.f32 [tilespmem:s11], [sflag:$0x1], $0x1, s26, s10, $0xb8;
	[tilespmem:$0x2D80] =	vst v63  }
0xa6: {  	s28 =	sadd.s32 $0x180, s16  }
0xa7: {  	[spmem:s2] =	stream.indirect.scatter.add.f32 [tilespmem:s11], [sflag:$0x1], $0x1, s28, s10, $0xb8;
	[tilespmem:$0x2D80] =	vst v63  }
0xa8: {  	s29 =	sadd.s32 $0x200, s16  }
0xa9: {  	[spmem:s2] =	stream.indirect.scatter.add.f32 [tilespmem:s11], [sflag:$0x1], $0x1, s29, s10, $0xb8;
	[tilespmem:$0x2D80] =	vst v63  }
0xaa: {  	s30 =	sadd.s32 $0x280, s16  }
0xab: {  	[spmem:s2] =	stream.indirect.scatter.add.f32 [tilespmem:s11], [sflag:$0x1], $0x1, s30, s10, $0xb8;
	[tilespmem:$0x2D80] =	vst v63  }
0xac: {  	s31 =	sadd.s32 $0x300, s16  }
0xad: {  	[spmem:s2] =	stream.indirect.scatter.add.f32 [tilespmem:s11], [sflag:$0x1], $0x1, s31, s10, $0xb8;
	[tilespmem:$0x2D80] =	vst v63  }
0xae: {  	s16 =	sadd.s32 $0x380, s16  }
0xaf: {  	[spmem:s2] =	stream.indirect.scatter.add.f32 [tilespmem:s11], [sflag:$0x1], $0x1, s16, s10, $0xb8;
	[tilespmem:$0x2D80] =	vst v63  }
0xb0: {  	_ =	swait.ge [sflag:s12], $0x80  }
0xb1: {  	[sflag:s12] =	ssyncset.done $0x0  }
0xb2: {  	[sflag:s12] =	ssyncadd.s32 $0xFFFFFF80  }
0xb3: {  	_ =	swait.ge [sflag:s12], $0x80  }
0xb4: {  	[sflag:s12] =	ssyncset.done $0x0  }
0xb5: {  	[sflag:s12] =	ssyncadd.s32 $0xFFFFFF80  }
0xb6: {  	_ =	swait.ge [sflag:s12], $0x80  }
0xb7: {  	[sflag:s12] =	ssyncset.done $0x0  }
0xb8: {  	[sflag:s12] =	ssyncadd.s32 $0xFFFFFF80  }
0xb9: {  	_ =	swait.ge [sflag:s12], $0x80  }
0xba: {  	[sflag:s12] =	ssyncset.done $0x0  }
0xbb: {  	[sflag:s12] =	ssyncadd.s32 $0xFFFFFF80  }
0xbc: {  	_ =	swait.ge [sflag:s12], $0x80  }
0xbd: {  	[sflag:s12] =	ssyncset.done $0x0  }
0xbe: {  	[sflag:s12] =	ssyncadd.s32 $0xFFFFFF80  }
0xbf: {  	_ =	swait.ge [sflag:s12], $0x80  }
0xc0: {  	[sflag:s12] =	ssyncset.done $0x0  }
0xc1: {  	[sflag:s12] =	ssyncadd.s32 $0xFFFFFF80  }
0xc2: {  	_ =	swait.ge [sflag:s12], $0x80  }
0xc3: {  	[sflag:s12] =	ssyncset.done $0x0  }
0xc4: {  	[sflag:s12] =	ssyncadd.s32 $0xFFFFFF80  }
0xc5: {  	_ =	swait.ge [sflag:s12], $0x80  }
0xc6: {  	s15 =	sadd.s32 $0x1, s15;
	[sflag:s12] =	ssyncset.done $0x0  }
0xc7: {  	p0 =	sne.s32 s15, s7;
	[sflag:s12] =	ssyncadd.s32 $0xFFFFFF80  }
.Ltmp2:
0xc8: {  	[bflag:$0x0] =	sbarrier.arrive $0xFFFF;
	(pc) =	sbr.rel @p0 .LBB2_1-.Ltmp2, $4  }
0xc9: {  	[hbm:s6], [sflag:s13] =	dma.local [spmem:s14], $0x50  }
0xca: {  	_ =	swait.ge [sflag:s8], $0x50  }
0xcb: {  	[sflag:s8] =	ssyncset.done $0x0  }
0xcc: {  	[sflag:s8] =	ssyncadd.s32 $0xFFFFFFB0  }
0xcd: {  	_ =	sfence.sel $0x180000  }
0xce: {  	[bflag:$0x0] =	sbarrier.arrive $0xFFFF  }
0xcf: {  	p0 =	sne.s32 s1, $0x0;
	_ =	strace $0x90000047  }
0xd0: {  	s0 =	sadd.s32 @!p0 $0x100000, s0;
	[bflag:$0x2] =	sbarrier.arrive $0xFFFF  }
0xd1: {  	[sflag:s0] =	ssyncadd.tile.s32 @!p0 $0x1;
	_ =	shalt  }
.Lfunc_end2:
_tile_overlayer_lowered:
.L_overlay_start_2:
0xd2: {  	(tag) =	ssettag $0x2  }
0xd3: {  	s0 =	rddreg [dreg:$0x0];
	s2 =	stileid.u32  }
0xd4: {  	s1 =	rddreg [dreg:$0x1];
	p0 =	sne.s32 s2, $0x0  }
0xd5: {  	s3 =	rddreg [dreg:$0x2];
	[bflag:$0x3] =	sbarrier.arrive $0xFFFF;
	s2 =	simm.s32 @!p0 $0x1C02  }
0xd6: {  	[timem:s3], [sflag:s2] =	dma.local @!p0 [hbm:s0], s1  }
0xd7: {  	s0 =	simm.s32 @!p0 $0x2  }
0xd8: {  	_ =	swait.ge @!p0 [sflag:s0], s1  }
0xd9: {  	s1 =	ssub.s32 @!p0 $0x0, s1;
	[sflag:s0] =	ssyncset.done @!p0 $0x0  }
0xda: {  	[sflag:s0] =	ssyncadd.s32 @!p0 s1  }
0xdb: {  	[bflag:$0x3] =	sbarrier.arrive $0xFFFF  }
0xdc: {  	_ =	shalt  }

</sc_bundles>
